<compile_context>
chip_gen: v7x
topology: tpu7x:2x2x1
jax: 0.10.2.dev20260603
libtpu: 0.0.44.dev20260713+nightly
codegen_flags: <defaults>
</compile_context>

<pallas_src>
import functools

import jax
import jax.numpy as jnp
from jax import lax
from jax.experimental import pallas as pl
from jax.experimental.pallas import tpu as pltpu
from jax.experimental.pallas import tpu_sc as plsc

VOCAB = 1000000
D = 64
B = 16384
H = 50

NC = 2
NS = 16
NW = NC * NS
BPW = B // NW

CB = 16
NCHUNK = BPW // CB
NLG = D // 16


def _embed_bag_body(idx_hbm, table_hbm, out_hbm, idx_v, rows_v, out_v, sem):
    wid = lax.axis_index("s") * NC + lax.axis_index("c")
    row_base = wid * BPW

    def chunk_body(c, _):
        row0 = row_base + c * CB
        pltpu.sync_copy(idx_hbm.at[pl.ds(row0, CB)], idx_v)
        cps = [
            pltpu.async_copy(table_hbm.at[idx_v.at[j]], rows_v.at[j], sem)
            for j in range(CB)
        ]
        for cp in cps:
            cp.wait()

        for j in range(CB):
            def row_body(r, accs, j=j):
                return tuple(
                    accs[lg] + rows_v[j, r, pl.ds(lg * 16, 16)]
                    for lg in range(NLG)
                )

            accs = lax.fori_loop(
                0, H, row_body,
                tuple(jnp.zeros((16,), jnp.float32) for _ in range(NLG)),
            )
            for lg in range(NLG):
                out_v[j, pl.ds(lg * 16, 16)] = accs[lg] * (1.0 / H)

        pltpu.sync_copy(out_v, out_hbm.at[pl.ds(row0, CB)])
        return 0

    lax.fori_loop(0, NCHUNK, chunk_body, 0)


@jax.jit
def kernel(indices, table):
    mesh = plsc.VectorSubcoreMesh(
        core_axis_name="c", subcore_axis_name="s", num_cores=NC, num_subcores=NS
    )
    k = functools.partial(
        pl.kernel,
        out_type=jax.ShapeDtypeStruct((B, D), jnp.float32),
        mesh=mesh,
        compiler_params=pltpu.CompilerParams(use_tc_tiling_on_sc=False),
        scratch_types=[
            pltpu.VMEM((CB, H), jnp.int32),
            pltpu.VMEM((CB, H, D), jnp.float32),
            pltpu.VMEM((CB, D), jnp.float32),
            pltpu.SemaphoreType.DMA,
        ],
    )(_embed_bag_body)
    return k(indices, table)

# --- scband reference (transcript-rebuilt; emitter-appended) ---
"""Pipeline reference for scband-mlp-13855564497329 (READ-ONLY COPY).

The authoritative reference and input builder live on the scoring server;
editing this copy changes nothing except your own understanding.
"""

import jax, jax.numpy as jnp
import numpy as np

VOCAB = 1000000
EMBED_DIM = 64
BATCH = 16384
HIST = 50


def setup_inputs(seed: int = 0) -> dict:
    key = jax.random.key(seed)
    k1, k2 = jax.random.split(key)
    indices = jax.random.randint(k1, (BATCH, HIST), 0, VOCAB, dtype=jnp.int32)
    table = jax.random.normal(k2, (VOCAB, EMBED_DIM), dtype=jnp.float32) * 0.02
    return {"indices": indices, "table": table}


def reference(indices, table):
    # nn.EmbeddingBag with 2D input and default mode='mean':
    # gather rows then mean-pool over the bag (hist_len) dimension.
    emb = jnp.take(table, indices, axis=0)  # [B, L, D]
    pooled = jnp.mean(emb, axis=1)          # [B, D]
    return pooled

if __name__ == "__main__":
    import jax
    _d = setup_inputs()
    print(jax.jit(kernel)(*tuple(_d.values())))

</pallas_src>

<mosaic_0001>
#map = affine_map<(d0, d1) -> (0, 0)>
module attributes {stable_mosaic.version = 14 : i64} {
  func.func @_embed_bag_body(%arg0: i32, %arg1: i32, %arg2: memref<16384x50xi32, #tpu.memory_space<hbm>>, %arg3: memref<1000000x64xf32, #tpu.memory_space<hbm>>, %arg4: memref<16384x64xf32, #tpu.memory_space<hbm>>, %arg5: memref<16x50xi32, #tpu.memory_space<vmem>>, %arg6: memref<16x50x64xf32, #tpu.memory_space<vmem>>, %arg7: memref<16x64xf32, #tpu.memory_space<vmem>>, %arg8: memref<!tpu.dma_semaphore, #tpu.memory_space<semaphore_mem>>) attributes {dimension_semantics = [#tpu.dimension_semantics<core_parallel>, #tpu.dimension_semantics<subcore_parallel>], iteration_bounds = array<i64: 2, 16>, scalar_prefetch = 0 : i64, scratch_operands = 4 : i64, tpu.core_type = #tpu.core_type<sc_vector_subcore>, window_params = [{transform_indices = #map}, {transform_indices = #map}, {transform_indices = #map}]} {
    %mul3A = arith.constant 2 : i32
    %mul3A_0 = arith.muli %arg1, %mul3A : i32
    %add3A = arith.addi %mul3A_0, %arg0 : i32
    %mul3A_1 = arith.constant 512 : i32
    %mul3A_2 = arith.muli %add3A, %mul3A_1 : i32
    %scan3A = arith.constant 0 : i32
    %scan3A_3 = arith.constant 0 : i32
    %scan3A_4 = arith.constant 32 : i32
    %scan3A_5 = arith.addi %scan3A_3, %scan3A_4 : i32
    %scan3A_6 = arith.constant 1 : i32
    %scan3A_7 = scf.for %scan3A_9 = %scan3A_3 to %scan3A_5 step %scan3A_6 iter_args(%scan3A_10 = %scan3A) -> (i32)  : i32 {
      %mul3A_11 = arith.constant 16 : i32
      %mul3A_12 = arith.muli %scan3A_9, %mul3A_11 : i32
      %add3A_13 = arith.addi %mul3A_2, %mul3A_12 : i32
      "tpu.region"() ({
        %run_scoped3A = tpu.sem_alloc : memref<!tpu.dma_semaphore, #tpu.memory_space<semaphore_mem>>
        %dma_start3A_1195 = arith.constant 0 : i32
        %dma_start3A_1196 = tpu.memref_slice %arg2[%add3A_13, %dma_start3A_1195] : memref<16384x50xi32, #tpu.memory_space<hbm>> -> memref<16x50xi32, #tpu.memory_space<hbm>>
        %dma_start3A_1197 = arith.constant 0 : i32
        %dma_start3A_1198 = tpu.memref_slice %arg2[%add3A_13, %dma_start3A_1197] : memref<16384x50xi32, #tpu.memory_space<hbm>> -> memref<16x50xi32, #tpu.memory_space<hbm>>
        tpu.enqueue_dma source(%dma_start3A_1198 : memref<16x50xi32, #tpu.memory_space<hbm>>) target(%arg5 : memref<16x50xi32, #tpu.memory_space<vmem>>) target_semaphore(%run_scoped3A : memref<!tpu.dma_semaphore, #tpu.memory_space<semaphore_mem>>)
        %dma_wait3A_1199 = arith.constant 0 : i32
        %dma_wait3A_1200 = tpu.memref_slice %arg2[%add3A_13, %dma_wait3A_1199] : memref<16384x50xi32, #tpu.memory_space<hbm>> -> memref<16x50xi32, #tpu.memory_space<hbm>>
        %dma_wait3A_1201 = arith.constant 0 : i32
        %dma_wait3A_1202 = tpu.memref_slice %arg2[%add3A_13, %dma_wait3A_1201] : memref<16384x50xi32, #tpu.memory_space<hbm>> -> memref<16x50xi32, #tpu.memory_space<hbm>>
        tpu.wait_dma2 semaphore(%run_scoped3A : memref<!tpu.dma_semaphore, #tpu.memory_space<semaphore_mem>>) src(%dma_wait3A_1202 : memref<16x50xi32, #tpu.memory_space<hbm>>) dst(%arg5 : memref<16x50xi32, #tpu.memory_space<vmem>>)
        tpu.yield
      }) : () -> ()
      %dma_start3A = arith.constant 0 : i32
      %dma_start3A_14 = arith.constant 0 : i32
      %dma_start3A_15 = arith.constant 0 : i32
      %dma_start3A_16 = arith.constant 0 : i32
      %dma_start3A_17 = tpu.memref_slice %arg6[%dma_start3A_14, %dma_start3A_15, %dma_start3A_16] : memref<16x50x64xf32, #tpu.memory_space<vmem>> -> memref<1x50x64xf32, #tpu.memory_space<vmem>>
      %dma_start3A_18 = tpu.memref_squeeze %dma_start3A_17 : memref<1x50x64xf32, #tpu.memory_space<vmem>> -> memref<50x64xf32, #tpu.memory_space<vmem>>
      %dma_start3A_19 = arith.constant 0 : i32
      %dma_start3A_20 = tpu.memref_slice %arg5[%dma_start3A, %dma_start3A_19] : memref<16x50xi32, #tpu.memory_space<vmem>> -> memref<1x50xi32, #tpu.memory_space<vmem>>
      %dma_start3A_21 = tpu.memref_squeeze %dma_start3A_20 : memref<1x50xi32, #tpu.memory_space<vmem>> -> memref<50xi32, #tpu.memory_space<vmem>>
      %dma_start3A_22 = arith.constant 0 : i32
      %dma_start3A_23 = arith.constant 0 : i32
      %dma_start3A_24 = tpu.memref_slice %arg3[%dma_start3A_22, %dma_start3A_23] : memref<1000000x64xf32, #tpu.memory_space<hbm>> -> memref<1000000x64xf32, #tpu.memory_space<hbm>>
      tpu.enqueue_indirect_dma source(%dma_start3A_24 : memref<1000000x64xf32, #tpu.memory_space<hbm>>) target(%dma_start3A_18 : memref<50x64xf32, #tpu.memory_space<vmem>>) offsets(%dma_start3A_21 : memref<50xi32, #tpu.memory_space<vmem>>) semaphore(%arg8 : memref<!tpu.dma_semaphore, #tpu.memory_space<semaphore_mem>>)
      %dma_start3A_25 = arith.constant 1 : i32
      %dma_start3A_26 = arith.constant 1 : i32
      %dma_start3A_27 = arith.constant 0 : i32
      %dma_start3A_28 = arith.constant 0 : i32
      %dma_start3A_29 = tpu.memref_slice %arg6[%dma_start3A_26, %dma_start3A_27, %dma_start3A_28] : memref<16x50x64xf32, #tpu.memory_space<vmem>> -> memref<1x50x64xf32, #tpu.memory_space<vmem>>
      %dma_start3A_30 = tpu.memref_squeeze %dma_start3A_29 : memref<1x50x64xf32, #tpu.memory_space<vmem>> -> memref<50x64xf32, #tpu.memory_space<vmem>>
      %dma_start3A_31 = arith.constant 0 : i32
      %dma_start3A_32 = tpu.memref_slice %arg5[%dma_start3A_25, %dma_start3A_31] : memref<16x50xi32, #tpu.memory_space<vmem>> -> memref<1x50xi32, #tpu.memory_space<vmem>>
      %dma_start3A_33 = tpu.memref_squeeze %dma_start3A_32 : memref<1x50xi32, #tpu.memory_space<vmem>> -> memref<50xi32, #tpu.memory_space<vmem>>
      %dma_start3A_34 = arith.constant 0 : i32
      %dma_start3A_35 = arith.constant 0 : i32
      %dma_start3A_36 = tpu.memref_slice %arg3[%dma_start3A_34, %dma_start3A_35] : memref<1000000x64xf32, #tpu.memory_space<hbm>> -> memref<1000000x64xf32, #tpu.memory_space<hbm>>
      tpu.enqueue_indirect_dma source(%dma_start3A_36 : memref<1000000x64xf32, #tpu.memory_space<hbm>>) target(%dma_start3A_30 : memref<50x64xf32, #tpu.memory_space<vmem>>) offsets(%dma_start3A_33 : memref<50xi32, #tpu.memory_space<vmem>>) semaphore(%arg8 : memref<!tpu.dma_semaphore, #tpu.memory_space<semaphore_mem>>)
      %dma_start3A_37 = arith.constant 2 : i32
      %dma_start3A_38 = arith.constant 2 : i32
      %dma_start3A_39 = arith.constant 0 : i32
      %dma_start3A_40 = arith.constant 0 : i32
      %dma_start3A_41 = tpu.memref_slice %arg6[%dma_start3A_38, %dma_start3A_39, %dma_start3A_40] : memref<16x50x64xf32, #tpu.memory_space<vmem>> -> memref<1x50x64xf32, #tpu.memory_space<vmem>>
      %dma_start3A_42 = tpu.memref_squeeze %dma_start3A_41 : memref<1x50x64xf32, #tpu.memory_space<vmem>> -> memref<50x64xf32, #tpu.memory_space<vmem>>
      %dma_start3A_43 = arith.constant 0 : i32
      %dma_start3A_44 = tpu.memref_slice %arg5[%dma_start3A_37, %dma_start3A_43] : memref<16x50xi32, #tpu.memory_space<vmem>> -> memref<1x50xi32, #tpu.memory_space<vmem>>
      %dma_start3A_45 = tpu.memref_squeeze %dma_start3A_44 : memref<1x50xi32, #tpu.memory_space<vmem>> -> memref<50xi32, #tpu.memory_space<vmem>>
      %dma_start3A_46 = arith.constant 0 : i32
      %dma_start3A_47 = arith.constant 0 : i32
      %dma_start3A_48 = tpu.memref_slice %arg3[%dma_start3A_46, %dma_start3A_47] : memref<1000000x64xf32, #tpu.memory_space<hbm>> -> memref<1000000x64xf32, #tpu.memory_space<hbm>>
      tpu.enqueue_indirect_dma source(%dma_start3A_48 : memref<1000000x64xf32, #tpu.memory_space<hbm>>) target(%dma_start3A_42 : memref<50x64xf32, #tpu.memory_space<vmem>>) offsets(%dma_start3A_45 : memref<50xi32, #tpu.memory_space<vmem>>) semaphore(%arg8 : memref<!tpu.dma_semaphore, #tpu.memory_space<semaphore_mem>>)
      %dma_start3A_49 = arith.constant 3 : i32
      %dma_start3A_50 = arith.constant 3 : i32
      %dma_start3A_51 = arith.constant 0 : i32
      %dma_start3A_52 = arith.constant 0 : i32
      %dma_start3A_53 = tpu.memref_slice %arg6[%dma_start3A_50, %dma_start3A_51, %dma_start3A_52] : memref<16x50x64xf32, #tpu.memory_space<vmem>> -> memref<1x50x64xf32, #tpu.memory_space<vmem>>
      %dma_start3A_54 = tpu.memref_squeeze %dma_start3A_53 : memref<1x50x64xf32, #tpu.memory_space<vmem>> -> memref<50x64xf32, #tpu.memory_space<vmem>>
      %dma_start3A_55 = arith.constant 0 : i32
      %dma_start3A_56 = tpu.memref_slice %arg5[%dma_start3A_49, %dma_start3A_55] : memref<16x50xi32, #tpu.memory_space<vmem>> -> memref<1x50xi32, #tpu.memory_space<vmem>>
      %dma_start3A_57 = tpu.memref_squeeze %dma_start3A_56 : memref<1x50xi32, #tpu.memory_space<vmem>> -> memref<50xi32, #tpu.memory_space<vmem>>
      %dma_start3A_58 = arith.constant 0 : i32
      %dma_start3A_59 = arith.constant 0 : i32
      %dma_start3A_60 = tpu.memref_slice %arg3[%dma_start3A_58, %dma_start3A_59] : memref<1000000x64xf32, #tpu.memory_space<hbm>> -> memref<1000000x64xf32, #tpu.memory_space<hbm>>
      tpu.enqueue_indirect_dma source(%dma_start3A_60 : memref<1000000x64xf32, #tpu.memory_space<hbm>>) target(%dma_start3A_54 : memref<50x64xf32, #tpu.memory_space<vmem>>) offsets(%dma_start3A_57 : memref<50xi32, #tpu.memory_space<vmem>>) semaphore(%arg8 : memref<!tpu.dma_semaphore, #tpu.memory_space<semaphore_mem>>)
      %dma_start3A_61 = arith.constant 4 : i32
      %dma_start3A_62 = arith.constant 4 : i32
      %dma_start3A_63 = arith.constant 0 : i32
      %dma_start3A_64 = arith.constant 0 : i32
      %dma_start3A_65 = tpu.memref_slice %arg6[%dma_start3A_62, %dma_start3A_63, %dma_start3A_64] : memref<16x50x64xf32, #tpu.memory_space<vmem>> -> memref<1x50x64xf32, #tpu.memory_space<vmem>>
      %dma_start3A_66 = tpu.memref_squeeze %dma_start3A_65 : memref<1x50x64xf32, #tpu.memory_space<vmem>> -> memref<50x64xf32, #tpu.memory_space<vmem>>
      %dma_start3A_67 = arith.constant 0 : i32
      %dma_start3A_68 = tpu.memref_slice %arg5[%dma_start3A_61, %dma_start3A_67] : memref<16x50xi32, #tpu.memory_space<vmem>> -> memref<1x50xi32, #tpu.memory_space<vmem>>
      %dma_start3A_69 = tpu.memref_squeeze %dma_start3A_68 : memref<1x50xi32, #tpu.memory_space<vmem>> -> memref<50xi32, #tpu.memory_space<vmem>>
      %dma_start3A_70 = arith.constant 0 : i32
      %dma_start3A_71 = arith.constant 0 : i32
      %dma_start3A_72 = tpu.memref_slice %arg3[%dma_start3A_70, %dma_start3A_71] : memref<1000000x64xf32, #tpu.memory_space<hbm>> -> memref<1000000x64xf32, #tpu.memory_space<hbm>>
      tpu.enqueue_indirect_dma source(%dma_start3A_72 : memref<1000000x64xf32, #tpu.memory_space<hbm>>) target(%dma_start3A_66 : memref<50x64xf32, #tpu.memory_space<vmem>>) offsets(%dma_start3A_69 : memref<50xi32, #tpu.memory_space<vmem>>) semaphore(%arg8 : memref<!tpu.dma_semaphore, #tpu.memory_space<semaphore_mem>>)
      %dma_start3A_73 = arith.constant 5 : i32
      %dma_start3A_74 = arith.constant 5 : i32
      %dma_start3A_75 = arith.constant 0 : i32
      %dma_start3A_76 = arith.constant 0 : i32
      %dma_start3A_77 = tpu.memref_slice %arg6[%dma_start3A_74, %dma_start3A_75, %dma_start3A_76] : memref<16x50x64xf32, #tpu.memory_space<vmem>> -> memref<1x50x64xf32, #tpu.memory_space<vmem>>
      %dma_start3A_78 = tpu.memref_squeeze %dma_start3A_77 : memref<1x50x64xf32, #tpu.memory_space<vmem>> -> memref<50x64xf32, #tpu.memory_space<vmem>>
      %dma_start3A_79 = arith.constant 0 : i32
      %dma_start3A_80 = tpu.memref_slice %arg5[%dma_start3A_73, %dma_start3A_79] : memref<16x50xi32, #tpu.memory_space<vmem>> -> memref<1x50xi32, #tpu.memory_space<vmem>>
      %dma_start3A_81 = tpu.memref_squeeze %dma_start3A_80 : memref<1x50xi32, #tpu.memory_space<vmem>> -> memref<50xi32, #tpu.memory_space<vmem>>
      %dma_start3A_82 = arith.constant 0 : i32
      %dma_start3A_83 = arith.constant 0 : i32
      %dma_start3A_84 = tpu.memref_slice %arg3[%dma_start3A_82, %dma_start3A_83] : memref<1000000x64xf32, #tpu.memory_space<hbm>> -> memref<1000000x64xf32, #tpu.memory_space<hbm>>
      tpu.enqueue_indirect_dma source(%dma_start3A_84 : memref<1000000x64xf32, #tpu.memory_space<hbm>>) target(%dma_start3A_78 : memref<50x64xf32, #tpu.memory_space<vmem>>) offsets(%dma_start3A_81 : memref<50xi32, #tpu.memory_space<vmem>>) semaphore(%arg8 : memref<!tpu.dma_semaphore, #tpu.memory_space<semaphore_mem>>)
      %dma_start3A_85 = arith.constant 6 : i32
      %dma_start3A_86 = arith.constant 6 : i32
      %dma_start3A_87 = arith.constant 0 : i32
      %dma_start3A_88 = arith.constant 0 : i32
      %dma_start3A_89 = tpu.memref_slice %arg6[%dma_start3A_86, %dma_start3A_87, %dma_start3A_88] : memref<16x50x64xf32, #tpu.memory_space<vmem>> -> memref<1x50x64xf32, #tpu.memory_space<vmem>>
      %dma_start3A_90 = tpu.memref_squeeze %dma_start3A_89 : memref<1x50x64xf32, #tpu.memory_space<vmem>> -> memref<50x64xf32, #tpu.memory_space<vmem>>
      %dma_start3A_91 = arith.constant 0 : i32
      %dma_start3A_92 = tpu.memref_slice %arg5[%dma_start3A_85, %dma_start3A_91] : memref<16x50xi32, #tpu.memory_space<vmem>> -> memref<1x50xi32, #tpu.memory_space<vmem>>
      %dma_start3A_93 = tpu.memref_squeeze %dma_start3A_92 : memref<1x50xi32, #tpu.memory_space<vmem>> -> memref<50xi32, #tpu.memory_space<vmem>>
      %dma_start3A_94 = arith.constant 0 : i32
      %dma_start3A_95 = arith.constant 0 : i32
      %dma_start3A_96 = tpu.memref_slice %arg3[%dma_start3A_94, %dma_start3A_95] : memref<1000000x64xf32, #tpu.memory_space<hbm>> -> memref<1000000x64xf32, #tpu.memory_space<hbm>>
      tpu.enqueue_indirect_dma source(%dma_start3A_96 : memref<1000000x64xf32, #tpu.memory_space<hbm>>) target(%dma_start3A_90 : memref<50x64xf32, #tpu.memory_space<vmem>>) offsets(%dma_start3A_93 : memref<50xi32, #tpu.memory_space<vmem>>) semaphore(%arg8 : memref<!tpu.dma_semaphore, #tpu.memory_space<semaphore_mem>>)
      %dma_start3A_97 = arith.constant 7 : i32
      %dma_start3A_98 = arith.constant 7 : i32
      %dma_start3A_99 = arith.constant 0 : i32
      %dma_start3A_100 = arith.constant 0 : i32
      %dma_start3A_101 = tpu.memref_slice %arg6[%dma_start3A_98, %dma_start3A_99, %dma_start3A_100] : memref<16x50x64xf32, #tpu.memory_space<vmem>> -> memref<1x50x64xf32, #tpu.memory_space<vmem>>
      %dma_start3A_102 = tpu.memref_squeeze %dma_start3A_101 : memref<1x50x64xf32, #tpu.memory_space<vmem>> -> memref<50x64xf32, #tpu.memory_space<vmem>>
      %dma_start3A_103 = arith.constant 0 : i32
      %dma_start3A_104 = tpu.memref_slice %arg5[%dma_start3A_97, %dma_start3A_103] : memref<16x50xi32, #tpu.memory_space<vmem>> -> memref<1x50xi32, #tpu.memory_space<vmem>>
      %dma_start3A_105 = tpu.memref_squeeze %dma_start3A_104 : memref<1x50xi32, #tpu.memory_space<vmem>> -> memref<50xi32, #tpu.memory_space<vmem>>
      %dma_start3A_106 = arith.constant 0 : i32
      %dma_start3A_107 = arith.constant 0 : i32
      %dma_start3A_108 = tpu.memref_slice %arg3[%dma_start3A_106, %dma_start3A_107] : memref<1000000x64xf32, #tpu.memory_space<hbm>> -> memref<1000000x64xf32, #tpu.memory_space<hbm>>
      tpu.enqueue_indirect_dma source(%dma_start3A_108 : memref<1000000x64xf32, #tpu.memory_space<hbm>>) target(%dma_start3A_102 : memref<50x64xf32, #tpu.memory_space<vmem>>) offsets(%dma_start3A_105 : memref<50xi32, #tpu.memory_space<vmem>>) semaphore(%arg8 : memref<!tpu.dma_semaphore, #tpu.memory_space<semaphore_mem>>)
      %dma_start3A_109 = arith.constant 8 : i32
      %dma_start3A_110 = arith.constant 8 : i32
      %dma_start3A_111 = arith.constant 0 : i32
      %dma_start3A_112 = arith.constant 0 : i32
      %dma_start3A_113 = tpu.memref_slice %arg6[%dma_start3A_110, %dma_start3A_111, %dma_start3A_112] : memref<16x50x64xf32, #tpu.memory_space<vmem>> -> memref<1x50x64xf32, #tpu.memory_space<vmem>>
      %dma_start3A_114 = tpu.memref_squeeze %dma_start3A_113 : memref<1x50x64xf32, #tpu.memory_space<vmem>> -> memref<50x64xf32, #tpu.memory_space<vmem>>
      %dma_start3A_115 = arith.constant 0 : i32
      %dma_start3A_116 = tpu.memref_slice %arg5[%dma_start3A_109, %dma_start3A_115] : memref<16x50xi32, #tpu.memory_space<vmem>> -> memref<1x50xi32, #tpu.memory_space<vmem>>
      %dma_start3A_117 = tpu.memref_squeeze %dma_start3A_116 : memref<1x50xi32, #tpu.memory_space<vmem>> -> memref<50xi32, #tpu.memory_space<vmem>>
      %dma_start3A_118 = arith.constant 0 : i32
      %dma_start3A_119 = arith.constant 0 : i32
      %dma_start3A_120 = tpu.memref_slice %arg3[%dma_start3A_118, %dma_start3A_119] : memref<1000000x64xf32, #tpu.memory_space<hbm>> -> memref<1000000x64xf32, #tpu.memory_space<hbm>>
      tpu.enqueue_indirect_dma source(%dma_start3A_120 : memref<1000000x64xf32, #tpu.memory_space<hbm>>) target(%dma_start3A_114 : memref<50x64xf32, #tpu.memory_space<vmem>>) offsets(%dma_start3A_117 : memref<50xi32, #tpu.memory_space<vmem>>) semaphore(%arg8 : memref<!tpu.dma_semaphore, #tpu.memory_space<semaphore_mem>>)
      %dma_start3A_121 = arith.constant 9 : i32
      %dma_start3A_122 = arith.constant 9 : i32
      %dma_start3A_123 = arith.constant 0 : i32
      %dma_start3A_124 = arith.constant 0 : i32
      %dma_start3A_125 = tpu.memref_slice %arg6[%dma_start3A_122, %dma_start3A_123, %dma_start3A_124] : memref<16x50x64xf32, #tpu.memory_space<vmem>> -> memref<1x50x64xf32, #tpu.memory_space<vmem>>
      %dma_start3A_126 = tpu.memref_squeeze %dma_start3A_125 : memref<1x50x64xf32, #tpu.memory_space<vmem>> -> memref<50x64xf32, #tpu.memory_space<vmem>>
      %dma_start3A_127 = arith.constant 0 : i32
      %dma_start3A_128 = tpu.memref_slice %arg5[%dma_start3A_121, %dma_start3A_127] : memref<16x50xi32, #tpu.memory_space<vmem>> -> memref<1x50xi32, #tpu.memory_space<vmem>>
      %dma_start3A_129 = tpu.memref_squeeze %dma_start3A_128 : memref<1x50xi32, #tpu.memory_space<vmem>> -> memref<50xi32, #tpu.memory_space<vmem>>
      %dma_start3A_130 = arith.constant 0 : i32
      %dma_start3A_131 = arith.constant 0 : i32
      %dma_start3A_132 = tpu.memref_slice %arg3[%dma_start3A_130, %dma_start3A_131] : memref<1000000x64xf32, #tpu.memory_space<hbm>> -> memref<1000000x64xf32, #tpu.memory_space<hbm>>
      tpu.enqueue_indirect_dma source(%dma_start3A_132 : memref<1000000x64xf32, #tpu.memory_space<hbm>>) target(%dma_start3A_126 : memref<50x64xf32, #tpu.memory_space<vmem>>) offsets(%dma_start3A_129 : memref<50xi32, #tpu.memory_space<vmem>>) semaphore(%arg8 : memref<!tpu.dma_semaphore, #tpu.memory_space<semaphore_mem>>)
      %dma_start3A_133 = arith.constant 10 : i32
      %dma_start3A_134 = arith.constant 10 : i32
      %dma_start3A_135 = arith.constant 0 : i32
      %dma_start3A_136 = arith.constant 0 : i32
      %dma_start3A_137 = tpu.memref_slice %arg6[%dma_start3A_134, %dma_start3A_135, %dma_start3A_136] : memref<16x50x64xf32, #tpu.memory_space<vmem>> -> memref<1x50x64xf32, #tpu.memory_space<vmem>>
      %dma_start3A_138 = tpu.memref_squeeze %dma_start3A_137 : memref<1x50x64xf32, #tpu.memory_space<vmem>> -> memref<50x64xf32, #tpu.memory_space<vmem>>
      %dma_start3A_139 = arith.constant 0 : i32
      %dma_start3A_140 = tpu.memref_slice %arg5[%dma_start3A_133, %dma_start3A_139] : memref<16x50xi32, #tpu.memory_space<vmem>> -> memref<1x50xi32, #tpu.memory_space<vmem>>
      %dma_start3A_141 = tpu.memref_squeeze %dma_start3A_140 : memref<1x50xi32, #tpu.memory_space<vmem>> -> memref<50xi32, #tpu.memory_space<vmem>>
      %dma_start3A_142 = arith.constant 0 : i32
      %dma_start3A_143 = arith.constant 0 : i32
      %dma_start3A_144 = tpu.memref_slice %arg3[%dma_start3A_142, %dma_start3A_143] : memref<1000000x64xf32, #tpu.memory_space<hbm>> -> memref<1000000x64xf32, #tpu.memory_space<hbm>>
      tpu.enqueue_indirect_dma source(%dma_start3A_144 : memref<1000000x64xf32, #tpu.memory_space<hbm>>) target(%dma_start3A_138 : memref<50x64xf32, #tpu.memory_space<vmem>>) offsets(%dma_start3A_141 : memref<50xi32, #tpu.memory_space<vmem>>) semaphore(%arg8 : memref<!tpu.dma_semaphore, #tpu.memory_space<semaphore_mem>>)
      %dma_start3A_145 = arith.constant 11 : i32
      %dma_start3A_146 = arith.constant 11 : i32
      %dma_start3A_147 = arith.constant 0 : i32
      %dma_start3A_148 = arith.constant 0 : i32
      %dma_start3A_149 = tpu.memref_slice %arg6[%dma_start3A_146, %dma_start3A_147, %dma_start3A_148] : memref<16x50x64xf32, #tpu.memory_space<vmem>> -> memref<1x50x64xf32, #tpu.memory_space<vmem>>
      %dma_start3A_150 = tpu.memref_squeeze %dma_start3A_149 : memref<1x50x64xf32, #tpu.memory_space<vmem>> -> memref<50x64xf32, #tpu.memory_space<vmem>>
      %dma_start3A_151 = arith.constant 0 : i32
      %dma_start3A_152 = tpu.memref_slice %arg5[%dma_start3A_145, %dma_start3A_151] : memref<16x50xi32, #tpu.memory_space<vmem>> -> memref<1x50xi32, #tpu.memory_space<vmem>>
      %dma_start3A_153 = tpu.memref_squeeze %dma_start3A_152 : memref<1x50xi32, #tpu.memory_space<vmem>> -> memref<50xi32, #tpu.memory_space<vmem>>
      %dma_start3A_154 = arith.constant 0 : i32
      %dma_start3A_155 = arith.constant 0 : i32
      %dma_start3A_156 = tpu.memref_slice %arg3[%dma_start3A_154, %dma_start3A_155] : memref<1000000x64xf32, #tpu.memory_space<hbm>> -> memref<1000000x64xf32, #tpu.memory_space<hbm>>
      tpu.enqueue_indirect_dma source(%dma_start3A_156 : memref<1000000x64xf32, #tpu.memory_space<hbm>>) target(%dma_start3A_150 : memref<50x64xf32, #tpu.memory_space<vmem>>) offsets(%dma_start3A_153 : memref<50xi32, #tpu.memory_space<vmem>>) semaphore(%arg8 : memref<!tpu.dma_semaphore, #tpu.memory_space<semaphore_mem>>)
      %dma_start3A_157 = arith.constant 12 : i32
      %dma_start3A_158 = arith.constant 12 : i32
      %dma_start3A_159 = arith.constant 0 : i32
      %dma_start3A_160 = arith.constant 0 : i32
      %dma_start3A_161 = tpu.memref_slice %arg6[%dma_start3A_158, %dma_start3A_159, %dma_start3A_160] : memref<16x50x64xf32, #tpu.memory_space<vmem>> -> memref<1x50x64xf32, #tpu.memory_space<vmem>>
      %dma_start3A_162 = tpu.memref_squeeze %dma_start3A_161 : memref<1x50x64xf32, #tpu.memory_space<vmem>> -> memref<50x64xf32, #tpu.memory_space<vmem>>
      %dma_start3A_163 = arith.constant 0 : i32
      %dma_start3A_164 = tpu.memref_slice %arg5[%dma_start3A_157, %dma_start3A_163] : memref<16x50xi32, #tpu.memory_space<vmem>> -> memref<1x50xi32, #tpu.memory_space<vmem>>
      %dma_start3A_165 = tpu.memref_squeeze %dma_start3A_164 : memref<1x50xi32, #tpu.memory_space<vmem>> -> memref<50xi32, #tpu.memory_space<vmem>>
      %dma_start3A_166 = arith.constant 0 : i32
      %dma_start3A_167 = arith.constant 0 : i32
      %dma_start3A_168 = tpu.memref_slice %arg3[%dma_start3A_166, %dma_start3A_167] : memref<1000000x64xf32, #tpu.memory_space<hbm>> -> memref<1000000x64xf32, #tpu.memory_space<hbm>>
      tpu.enqueue_indirect_dma source(%dma_start3A_168 : memref<1000000x64xf32, #tpu.memory_space<hbm>>) target(%dma_start3A_162 : memref<50x64xf32, #tpu.memory_space<vmem>>) offsets(%dma_start3A_165 : memref<50xi32, #tpu.memory_space<vmem>>) semaphore(%arg8 : memref<!tpu.dma_semaphore, #tpu.memory_space<semaphore_mem>>)
      %dma_start3A_169 = arith.constant 13 : i32
      %dma_start3A_170 = arith.constant 13 : i32
      %dma_start3A_171 = arith.constant 0 : i32
      %dma_start3A_172 = arith.constant 0 : i32
      %dma_start3A_173 = tpu.memref_slice %arg6[%dma_start3A_170, %dma_start3A_171, %dma_start3A_172] : memref<16x50x64xf32, #tpu.memory_space<vmem>> -> memref<1x50x64xf32, #tpu.memory_space<vmem>>
      %dma_start3A_174 = tpu.memref_squeeze %dma_start3A_173 : memref<1x50x64xf32, #tpu.memory_space<vmem>> -> memref<50x64xf32, #tpu.memory_space<vmem>>
      %dma_start3A_175 = arith.constant 0 : i32
      %dma_start3A_176 = tpu.memref_slice %arg5[%dma_start3A_169, %dma_start3A_175] : memref<16x50xi32, #tpu.memory_space<vmem>> -> memref<1x50xi32, #tpu.memory_space<vmem>>
      %dma_start3A_177 = tpu.memref_squeeze %dma_start3A_176 : memref<1x50xi32, #tpu.memory_space<vmem>> -> memref<50xi32, #tpu.memory_space<vmem>>
      %dma_start3A_178 = arith.constant 0 : i32
      %dma_start3A_179 = arith.constant 0 : i32
      %dma_start3A_180 = tpu.memref_slice %arg3[%dma_start3A_178, %dma_start3A_179] : memref<1000000x64xf32, #tpu.memory_space<hbm>> -> memref<1000000x64xf32, #tpu.memory_space<hbm>>
      tpu.enqueue_indirect_dma source(%dma_start3A_180 : memref<1000000x64xf32, #tpu.memory_space<hbm>>) target(%dma_start3A_174 : memref<50x64xf32, #tpu.memory_space<vmem>>) offsets(%dma_start3A_177 : memref<50xi32, #tpu.memory_space<vmem>>) semaphore(%arg8 : memref<!tpu.dma_semaphore, #tpu.memory_space<semaphore_mem>>)
      %dma_start3A_181 = arith.constant 14 : i32
      %dma_start3A_182 = arith.constant 14 : i32
      %dma_start3A_183 = arith.constant 0 : i32
      %dma_start3A_184 = arith.constant 0 : i32
      %dma_start3A_185 = tpu.memref_slice %arg6[%dma_start3A_182, %dma_start3A_183, %dma_start3A_184] : memref<16x50x64xf32, #tpu.memory_space<vmem>> -> memref<1x50x64xf32, #tpu.memory_space<vmem>>
      %dma_start3A_186 = tpu.memref_squeeze %dma_start3A_185 : memref<1x50x64xf32, #tpu.memory_space<vmem>> -> memref<50x64xf32, #tpu.memory_space<vmem>>
      %dma_start3A_187 = arith.constant 0 : i32
      %dma_start3A_188 = tpu.memref_slice %arg5[%dma_start3A_181, %dma_start3A_187] : memref<16x50xi32, #tpu.memory_space<vmem>> -> memref<1x50xi32, #tpu.memory_space<vmem>>
      %dma_start3A_189 = tpu.memref_squeeze %dma_start3A_188 : memref<1x50xi32, #tpu.memory_space<vmem>> -> memref<50xi32, #tpu.memory_space<vmem>>
      %dma_start3A_190 = arith.constant 0 : i32
      %dma_start3A_191 = arith.constant 0 : i32
      %dma_start3A_192 = tpu.memref_slice %arg3[%dma_start3A_190, %dma_start3A_191] : memref<1000000x64xf32, #tpu.memory_space<hbm>> -> memref<1000000x64xf32, #tpu.memory_space<hbm>>
      tpu.enqueue_indirect_dma source(%dma_start3A_192 : memref<1000000x64xf32, #tpu.memory_space<hbm>>) target(%dma_start3A_186 : memref<50x64xf32, #tpu.memory_space<vmem>>) offsets(%dma_start3A_189 : memref<50xi32, #tpu.memory_space<vmem>>) semaphore(%arg8 : memref<!tpu.dma_semaphore, #tpu.memory_space<semaphore_mem>>)
      %dma_start3A_193 = arith.constant 15 : i32
      %dma_start3A_194 = arith.constant 15 : i32
      %dma_start3A_195 = arith.constant 0 : i32
      %dma_start3A_196 = arith.constant 0 : i32
      %dma_start3A_197 = tpu.memref_slice %arg6[%dma_start3A_194, %dma_start3A_195, %dma_start3A_196] : memref<16x50x64xf32, #tpu.memory_space<vmem>> -> memref<1x50x64xf32, #tpu.memory_space<vmem>>
      %dma_start3A_198 = tpu.memref_squeeze %dma_start3A_197 : memref<1x50x64xf32, #tpu.memory_space<vmem>> -> memref<50x64xf32, #tpu.memory_space<vmem>>
      %dma_start3A_199 = arith.constant 0 : i32
      %dma_start3A_200 = tpu.memref_slice %arg5[%dma_start3A_193, %dma_start3A_199] : memref<16x50xi32, #tpu.memory_space<vmem>> -> memref<1x50xi32, #tpu.memory_space<vmem>>
      %dma_start3A_201 = tpu.memref_squeeze %dma_start3A_200 : memref<1x50xi32, #tpu.memory_space<vmem>> -> memref<50xi32, #tpu.memory_space<vmem>>
      %dma_start3A_202 = arith.constant 0 : i32
      %dma_start3A_203 = arith.constant 0 : i32
      %dma_start3A_204 = tpu.memref_slice %arg3[%dma_start3A_202, %dma_start3A_203] : memref<1000000x64xf32, #tpu.memory_space<hbm>> -> memref<1000000x64xf32, #tpu.memory_space<hbm>>
      tpu.enqueue_indirect_dma source(%dma_start3A_204 : memref<1000000x64xf32, #tpu.memory_space<hbm>>) target(%dma_start3A_198 : memref<50x64xf32, #tpu.memory_space<vmem>>) offsets(%dma_start3A_201 : memref<50xi32, #tpu.memory_space<vmem>>) semaphore(%arg8 : memref<!tpu.dma_semaphore, #tpu.memory_space<semaphore_mem>>)
      %dma_wait3A = arith.constant 0 : i32
      %dma_wait3A_205 = arith.constant 0 : i32
      %dma_wait3A_206 = arith.constant 0 : i32
      %dma_wait3A_207 = arith.constant 0 : i32
      %dma_wait3A_208 = tpu.memref_slice %arg6[%dma_wait3A_205, %dma_wait3A_206, %dma_wait3A_207] : memref<16x50x64xf32, #tpu.memory_space<vmem>> -> memref<1x50x64xf32, #tpu.memory_space<vmem>>
      %dma_wait3A_209 = tpu.memref_squeeze %dma_wait3A_208 : memref<1x50x64xf32, #tpu.memory_space<vmem>> -> memref<50x64xf32, #tpu.memory_space<vmem>>
      %dma_wait3A_210 = arith.constant 0 : i32
      %dma_wait3A_211 = tpu.memref_slice %arg5[%dma_wait3A, %dma_wait3A_210] : memref<16x50xi32, #tpu.memory_space<vmem>> -> memref<1x50xi32, #tpu.memory_space<vmem>>
      %dma_wait3A_212 = tpu.memref_squeeze %dma_wait3A_211 : memref<1x50xi32, #tpu.memory_space<vmem>> -> memref<50xi32, #tpu.memory_space<vmem>>
      %dma_wait3A_213 = arith.constant 0 : i32
      %dma_wait3A_214 = arith.constant 0 : i32
      %dma_wait3A_215 = tpu.memref_slice %arg3[%dma_wait3A_213, %dma_wait3A_214] : memref<1000000x64xf32, #tpu.memory_space<hbm>> -> memref<1000000x64xf32, #tpu.memory_space<hbm>>
      tpu.wait_indirect_dma semaphore(%arg8 : memref<!tpu.dma_semaphore, #tpu.memory_space<semaphore_mem>>) src(%dma_wait3A_215 : memref<1000000x64xf32, #tpu.memory_space<hbm>>) dst(%dma_wait3A_209 : memref<50x64xf32, #tpu.memory_space<vmem>>)
      %dma_wait3A_216 = arith.constant 1 : i32
      %dma_wait3A_217 = arith.constant 1 : i32
      %dma_wait3A_218 = arith.constant 0 : i32
      %dma_wait3A_219 = arith.constant 0 : i32
      %dma_wait3A_220 = tpu.memref_slice %arg6[%dma_wait3A_217, %dma_wait3A_218, %dma_wait3A_219] : memref<16x50x64xf32, #tpu.memory_space<vmem>> -> memref<1x50x64xf32, #tpu.memory_space<vmem>>
      %dma_wait3A_221 = tpu.memref_squeeze %dma_wait3A_220 : memref<1x50x64xf32, #tpu.memory_space<vmem>> -> memref<50x64xf32, #tpu.memory_space<vmem>>
      %dma_wait3A_222 = arith.constant 0 : i32
      %dma_wait3A_223 = tpu.memref_slice %arg5[%dma_wait3A_216, %dma_wait3A_222] : memref<16x50xi32, #tpu.memory_space<vmem>> -> memref<1x50xi32, #tpu.memory_space<vmem>>
      %dma_wait3A_224 = tpu.memref_squeeze %dma_wait3A_223 : memref<1x50xi32, #tpu.memory_space<vmem>> -> memref<50xi32, #tpu.memory_space<vmem>>
      %dma_wait3A_225 = arith.constant 0 : i32
      %dma_wait3A_226 = arith.constant 0 : i32
      %dma_wait3A_227 = tpu.memref_slice %arg3[%dma_wait3A_225, %dma_wait3A_226] : memref<1000000x64xf32, #tpu.memory_space<hbm>> -> memref<1000000x64xf32, #tpu.memory_space<hbm>>
      tpu.wait_indirect_dma semaphore(%arg8 : memref<!tpu.dma_semaphore, #tpu.memory_space<semaphore_mem>>) src(%dma_wait3A_227 : memref<1000000x64xf32, #tpu.memory_space<hbm>>) dst(%dma_wait3A_221 : memref<50x64xf32, #tpu.memory_space<vmem>>)
      %dma_wait3A_228 = arith.constant 2 : i32
      %dma_wait3A_229 = arith.constant 2 : i32
      %dma_wait3A_230 = arith.constant 0 : i32
      %dma_wait3A_231 = arith.constant 0 : i32
      %dma_wait3A_232 = tpu.memref_slice %arg6[%dma_wait3A_229, %dma_wait3A_230, %dma_wait3A_231] : memref<16x50x64xf32, #tpu.memory_space<vmem>> -> memref<1x50x64xf32, #tpu.memory_space<vmem>>
      %dma_wait3A_233 = tpu.memref_squeeze %dma_wait3A_232 : memref<1x50x64xf32, #tpu.memory_space<vmem>> -> memref<50x64xf32, #tpu.memory_space<vmem>>
      %dma_wait3A_234 = arith.constant 0 : i32
      %dma_wait3A_235 = tpu.memref_slice %arg5[%dma_wait3A_228, %dma_wait3A_234] : memref<16x50xi32, #tpu.memory_space<vmem>> -> memref<1x50xi32, #tpu.memory_space<vmem>>
      %dma_wait3A_236 = tpu.memref_squeeze %dma_wait3A_235 : memref<1x50xi32, #tpu.memory_space<vmem>> -> memref<50xi32, #tpu.memory_space<vmem>>
      %dma_wait3A_237 = arith.constant 0 : i32
      %dma_wait3A_238 = arith.constant 0 : i32
      %dma_wait3A_239 = tpu.memref_slice %arg3[%dma_wait3A_237, %dma_wait3A_238] : memref<1000000x64xf32, #tpu.memory_space<hbm>> -> memref<1000000x64xf32, #tpu.memory_space<hbm>>
      tpu.wait_indirect_dma semaphore(%arg8 : memref<!tpu.dma_semaphore, #tpu.memory_space<semaphore_mem>>) src(%dma_wait3A_239 : memref<1000000x64xf32, #tpu.memory_space<hbm>>) dst(%dma_wait3A_233 : memref<50x64xf32, #tpu.memory_space<vmem>>)
      %dma_wait3A_240 = arith.constant 3 : i32
      %dma_wait3A_241 = arith.constant 3 : i32
      %dma_wait3A_242 = arith.constant 0 : i32
      %dma_wait3A_243 = arith.constant 0 : i32
      %dma_wait3A_244 = tpu.memref_slice %arg6[%dma_wait3A_241, %dma_wait3A_242, %dma_wait3A_243] : memref<16x50x64xf32, #tpu.memory_space<vmem>> -> memref<1x50x64xf32, #tpu.memory_space<vmem>>
      %dma_wait3A_245 = tpu.memref_squeeze %dma_wait3A_244 : memref<1x50x64xf32, #tpu.memory_space<vmem>> -> memref<50x64xf32, #tpu.memory_space<vmem>>
      %dma_wait3A_246 = arith.constant 0 : i32
      %dma_wait3A_247 = tpu.memref_slice %arg5[%dma_wait3A_240, %dma_wait3A_246] : memref<16x50xi32, #tpu.memory_space<vmem>> -> memref<1x50xi32, #tpu.memory_space<vmem>>
      %dma_wait3A_248 = tpu.memref_squeeze %dma_wait3A_247 : memref<1x50xi32, #tpu.memory_space<vmem>> -> memref<50xi32, #tpu.memory_space<vmem>>
      %dma_wait3A_249 = arith.constant 0 : i32
      %dma_wait3A_250 = arith.constant 0 : i32
      %dma_wait3A_251 = tpu.memref_slice %arg3[%dma_wait3A_249, %dma_wait3A_250] : memref<1000000x64xf32, #tpu.memory_space<hbm>> -> memref<1000000x64xf32, #tpu.memory_space<hbm>>
      tpu.wait_indirect_dma semaphore(%arg8 : memref<!tpu.dma_semaphore, #tpu.memory_space<semaphore_mem>>) src(%dma_wait3A_251 : memref<1000000x64xf32, #tpu.memory_space<hbm>>) dst(%dma_wait3A_245 : memref<50x64xf32, #tpu.memory_space<vmem>>)
      %dma_wait3A_252 = arith.constant 4 : i32
      %dma_wait3A_253 = arith.constant 4 : i32
      %dma_wait3A_254 = arith.constant 0 : i32
      %dma_wait3A_255 = arith.constant 0 : i32
      %dma_wait3A_256 = tpu.memref_slice %arg6[%dma_wait3A_253, %dma_wait3A_254, %dma_wait3A_255] : memref<16x50x64xf32, #tpu.memory_space<vmem>> -> memref<1x50x64xf32, #tpu.memory_space<vmem>>
      %dma_wait3A_257 = tpu.memref_squeeze %dma_wait3A_256 : memref<1x50x64xf32, #tpu.memory_space<vmem>> -> memref<50x64xf32, #tpu.memory_space<vmem>>
      %dma_wait3A_258 = arith.constant 0 : i32
      %dma_wait3A_259 = tpu.memref_slice %arg5[%dma_wait3A_252, %dma_wait3A_258] : memref<16x50xi32, #tpu.memory_space<vmem>> -> memref<1x50xi32, #tpu.memory_space<vmem>>
      %dma_wait3A_260 = tpu.memref_squeeze %dma_wait3A_259 : memref<1x50xi32, #tpu.memory_space<vmem>> -> memref<50xi32, #tpu.memory_space<vmem>>
      %dma_wait3A_261 = arith.constant 0 : i32
      %dma_wait3A_262 = arith.constant 0 : i32
      %dma_wait3A_263 = tpu.memref_slice %arg3[%dma_wait3A_261, %dma_wait3A_262] : memref<1000000x64xf32, #tpu.memory_space<hbm>> -> memref<1000000x64xf32, #tpu.memory_space<hbm>>
      tpu.wait_indirect_dma semaphore(%arg8 : memref<!tpu.dma_semaphore, #tpu.memory_space<semaphore_mem>>) src(%dma_wait3A_263 : memref<1000000x64xf32, #tpu.memory_space<hbm>>) dst(%dma_wait3A_257 : memref<50x64xf32, #tpu.memory_space<vmem>>)
      %dma_wait3A_264 = arith.constant 5 : i32
      %dma_wait3A_265 = arith.constant 5 : i32
      %dma_wait3A_266 = arith.constant 0 : i32
      %dma_wait3A_267 = arith.constant 0 : i32
      %dma_wait3A_268 = tpu.memref_slice %arg6[%dma_wait3A_265, %dma_wait3A_266, %dma_wait3A_267] : memref<16x50x64xf32, #tpu.memory_space<vmem>> -> memref<1x50x64xf32, #tpu.memory_space<vmem>>
      %dma_wait3A_269 = tpu.memref_squeeze %dma_wait3A_268 : memref<1x50x64xf32, #tpu.memory_space<vmem>> -> memref<50x64xf32, #tpu.memory_space<vmem>>
      %dma_wait3A_270 = arith.constant 0 : i32
      %dma_wait3A_271 = tpu.memref_slice %arg5[%dma_wait3A_264, %dma_wait3A_270] : memref<16x50xi32, #tpu.memory_space<vmem>> -> memref<1x50xi32, #tpu.memory_space<vmem>>
      %dma_wait3A_272 = tpu.memref_squeeze %dma_wait3A_271 : memref<1x50xi32, #tpu.memory_space<vmem>> -> memref<50xi32, #tpu.memory_space<vmem>>
      %dma_wait3A_273 = arith.constant 0 : i32
      %dma_wait3A_274 = arith.constant 0 : i32
      %dma_wait3A_275 = tpu.memref_slice %arg3[%dma_wait3A_273, %dma_wait3A_274] : memref<1000000x64xf32, #tpu.memory_space<hbm>> -> memref<1000000x64xf32, #tpu.memory_space<hbm>>
      tpu.wait_indirect_dma semaphore(%arg8 : memref<!tpu.dma_semaphore, #tpu.memory_space<semaphore_mem>>) src(%dma_wait3A_275 : memref<1000000x64xf32, #tpu.memory_space<hbm>>) dst(%dma_wait3A_269 : memref<50x64xf32, #tpu.memory_space<vmem>>)
      %dma_wait3A_276 = arith.constant 6 : i32
      %dma_wait3A_277 = arith.constant 6 : i32
      %dma_wait3A_278 = arith.constant 0 : i32
      %dma_wait3A_279 = arith.constant 0 : i32
      %dma_wait3A_280 = tpu.memref_slice %arg6[%dma_wait3A_277, %dma_wait3A_278, %dma_wait3A_279] : memref<16x50x64xf32, #tpu.memory_space<vmem>> -> memref<1x50x64xf32, #tpu.memory_space<vmem>>
      %dma_wait3A_281 = tpu.memref_squeeze %dma_wait3A_280 : memref<1x50x64xf32, #tpu.memory_space<vmem>> -> memref<50x64xf32, #tpu.memory_space<vmem>>
      %dma_wait3A_282 = arith.constant 0 : i32
      %dma_wait3A_283 = tpu.memref_slice %arg5[%dma_wait3A_276, %dma_wait3A_282] : memref<16x50xi32, #tpu.memory_space<vmem>> -> memref<1x50xi32, #tpu.memory_space<vmem>>
      %dma_wait3A_284 = tpu.memref_squeeze %dma_wait3A_283 : memref<1x50xi32, #tpu.memory_space<vmem>> -> memref<50xi32, #tpu.memory_space<vmem>>
      %dma_wait3A_285 = arith.constant 0 : i32
      %dma_wait3A_286 = arith.constant 0 : i32
      %dma_wait3A_287 = tpu.memref_slice %arg3[%dma_wait3A_285, %dma_wait3A_286] : memref<1000000x64xf32, #tpu.memory_space<hbm>> -> memref<1000000x64xf32, #tpu.memory_space<hbm>>
      tpu.wait_indirect_dma semaphore(%arg8 : memref<!tpu.dma_semaphore, #tpu.memory_space<semaphore_mem>>) src(%dma_wait3A_287 : memref<1000000x64xf32, #tpu.memory_space<hbm>>) dst(%dma_wait3A_281 : memref<50x64xf32, #tpu.memory_space<vmem>>)
      %dma_wait3A_288 = arith.constant 7 : i32
      %dma_wait3A_289 = arith.constant 7 : i32
      %dma_wait3A_290 = arith.constant 0 : i32
      %dma_wait3A_291 = arith.constant 0 : i32
      %dma_wait3A_292 = tpu.memref_slice %arg6[%dma_wait3A_289, %dma_wait3A_290, %dma_wait3A_291] : memref<16x50x64xf32, #tpu.memory_space<vmem>> -> memref<1x50x64xf32, #tpu.memory_space<vmem>>
      %dma_wait3A_293 = tpu.memref_squeeze %dma_wait3A_292 : memref<1x50x64xf32, #tpu.memory_space<vmem>> -> memref<50x64xf32, #tpu.memory_space<vmem>>
      %dma_wait3A_294 = arith.constant 0 : i32
      %dma_wait3A_295 = tpu.memref_slice %arg5[%dma_wait3A_288, %dma_wait3A_294] : memref<16x50xi32, #tpu.memory_space<vmem>> -> memref<1x50xi32, #tpu.memory_space<vmem>>
      %dma_wait3A_296 = tpu.memref_squeeze %dma_wait3A_295 : memref<1x50xi32, #tpu.memory_space<vmem>> -> memref<50xi32, #tpu.memory_space<vmem>>
      %dma_wait3A_297 = arith.constant 0 : i32
      %dma_wait3A_298 = arith.constant 0 : i32
      %dma_wait3A_299 = tpu.memref_slice %arg3[%dma_wait3A_297, %dma_wait3A_298] : memref<1000000x64xf32, #tpu.memory_space<hbm>> -> memref<1000000x64xf32, #tpu.memory_space<hbm>>
      tpu.wait_indirect_dma semaphore(%arg8 : memref<!tpu.dma_semaphore, #tpu.memory_space<semaphore_mem>>) src(%dma_wait3A_299 : memref<1000000x64xf32, #tpu.memory_space<hbm>>) dst(%dma_wait3A_293 : memref<50x64xf32, #tpu.memory_space<vmem>>)
      %dma_wait3A_300 = arith.constant 8 : i32
      %dma_wait3A_301 = arith.constant 8 : i32
      %dma_wait3A_302 = arith.constant 0 : i32
      %dma_wait3A_303 = arith.constant 0 : i32
      %dma_wait3A_304 = tpu.memref_slice %arg6[%dma_wait3A_301, %dma_wait3A_302, %dma_wait3A_303] : memref<16x50x64xf32, #tpu.memory_space<vmem>> -> memref<1x50x64xf32, #tpu.memory_space<vmem>>
      %dma_wait3A_305 = tpu.memref_squeeze %dma_wait3A_304 : memref<1x50x64xf32, #tpu.memory_space<vmem>> -> memref<50x64xf32, #tpu.memory_space<vmem>>
      %dma_wait3A_306 = arith.constant 0 : i32
      %dma_wait3A_307 = tpu.memref_slice %arg5[%dma_wait3A_300, %dma_wait3A_306] : memref<16x50xi32, #tpu.memory_space<vmem>> -> memref<1x50xi32, #tpu.memory_space<vmem>>
      %dma_wait3A_308 = tpu.memref_squeeze %dma_wait3A_307 : memref<1x50xi32, #tpu.memory_space<vmem>> -> memref<50xi32, #tpu.memory_space<vmem>>
      %dma_wait3A_309 = arith.constant 0 : i32
      %dma_wait3A_310 = arith.constant 0 : i32
      %dma_wait3A_311 = tpu.memref_slice %arg3[%dma_wait3A_309, %dma_wait3A_310] : memref<1000000x64xf32, #tpu.memory_space<hbm>> -> memref<1000000x64xf32, #tpu.memory_space<hbm>>
      tpu.wait_indirect_dma semaphore(%arg8 : memref<!tpu.dma_semaphore, #tpu.memory_space<semaphore_mem>>) src(%dma_wait3A_311 : memref<1000000x64xf32, #tpu.memory_space<hbm>>) dst(%dma_wait3A_305 : memref<50x64xf32, #tpu.memory_space<vmem>>)
      %dma_wait3A_312 = arith.constant 9 : i32
      %dma_wait3A_313 = arith.constant 9 : i32
      %dma_wait3A_314 = arith.constant 0 : i32
      %dma_wait3A_315 = arith.constant 0 : i32
      %dma_wait3A_316 = tpu.memref_slice %arg6[%dma_wait3A_313, %dma_wait3A_314, %dma_wait3A_315] : memref<16x50x64xf32, #tpu.memory_space<vmem>> -> memref<1x50x64xf32, #tpu.memory_space<vmem>>
      %dma_wait3A_317 = tpu.memref_squeeze %dma_wait3A_316 : memref<1x50x64xf32, #tpu.memory_space<vmem>> -> memref<50x64xf32, #tpu.memory_space<vmem>>
      %dma_wait3A_318 = arith.constant 0 : i32
      %dma_wait3A_319 = tpu.memref_slice %arg5[%dma_wait3A_312, %dma_wait3A_318] : memref<16x50xi32, #tpu.memory_space<vmem>> -> memref<1x50xi32, #tpu.memory_space<vmem>>
      %dma_wait3A_320 = tpu.memref_squeeze %dma_wait3A_319 : memref<1x50xi32, #tpu.memory_space<vmem>> -> memref<50xi32, #tpu.memory_space<vmem>>
      %dma_wait3A_321 = arith.constant 0 : i32
      %dma_wait3A_322 = arith.constant 0 : i32
      %dma_wait3A_323 = tpu.memref_slice %arg3[%dma_wait3A_321, %dma_wait3A_322] : memref<1000000x64xf32, #tpu.memory_space<hbm>> -> memref<1000000x64xf32, #tpu.memory_space<hbm>>
      tpu.wait_indirect_dma semaphore(%arg8 : memref<!tpu.dma_semaphore, #tpu.memory_space<semaphore_mem>>) src(%dma_wait3A_323 : memref<1000000x64xf32, #tpu.memory_space<hbm>>) dst(%dma_wait3A_317 : memref<50x64xf32, #tpu.memory_space<vmem>>)
      %dma_wait3A_324 = arith.constant 10 : i32
      %dma_wait3A_325 = arith.constant 10 : i32
      %dma_wait3A_326 = arith.constant 0 : i32
      %dma_wait3A_327 = arith.constant 0 : i32
      %dma_wait3A_328 = tpu.memref_slice %arg6[%dma_wait3A_325, %dma_wait3A_326, %dma_wait3A_327] : memref<16x50x64xf32, #tpu.memory_space<vmem>> -> memref<1x50x64xf32, #tpu.memory_space<vmem>>
      %dma_wait3A_329 = tpu.memref_squeeze %dma_wait3A_328 : memref<1x50x64xf32, #tpu.memory_space<vmem>> -> memref<50x64xf32, #tpu.memory_space<vmem>>
      %dma_wait3A_330 = arith.constant 0 : i32
      %dma_wait3A_331 = tpu.memref_slice %arg5[%dma_wait3A_324, %dma_wait3A_330] : memref<16x50xi32, #tpu.memory_space<vmem>> -> memref<1x50xi32, #tpu.memory_space<vmem>>
      %dma_wait3A_332 = tpu.memref_squeeze %dma_wait3A_331 : memref<1x50xi32, #tpu.memory_space<vmem>> -> memref<50xi32, #tpu.memory_space<vmem>>
      %dma_wait3A_333 = arith.constant 0 : i32
      %dma_wait3A_334 = arith.constant 0 : i32
      %dma_wait3A_335 = tpu.memref_slice %arg3[%dma_wait3A_333, %dma_wait3A_334] : memref<1000000x64xf32, #tpu.memory_space<hbm>> -> memref<1000000x64xf32, #tpu.memory_space<hbm>>
      tpu.wait_indirect_dma semaphore(%arg8 : memref<!tpu.dma_semaphore, #tpu.memory_space<semaphore_mem>>) src(%dma_wait3A_335 : memref<1000000x64xf32, #tpu.memory_space<hbm>>) dst(%dma_wait3A_329 : memref<50x64xf32, #tpu.memory_space<vmem>>)
      %dma_wait3A_336 = arith.constant 11 : i32
      %dma_wait3A_337 = arith.constant 11 : i32
      %dma_wait3A_338 = arith.constant 0 : i32
      %dma_wait3A_339 = arith.constant 0 : i32
      %dma_wait3A_340 = tpu.memref_slice %arg6[%dma_wait3A_337, %dma_wait3A_338, %dma_wait3A_339] : memref<16x50x64xf32, #tpu.memory_space<vmem>> -> memref<1x50x64xf32, #tpu.memory_space<vmem>>
      %dma_wait3A_341 = tpu.memref_squeeze %dma_wait3A_340 : memref<1x50x64xf32, #tpu.memory_space<vmem>> -> memref<50x64xf32, #tpu.memory_space<vmem>>
      %dma_wait3A_342 = arith.constant 0 : i32
      %dma_wait3A_343 = tpu.memref_slice %arg5[%dma_wait3A_336, %dma_wait3A_342] : memref<16x50xi32, #tpu.memory_space<vmem>> -> memref<1x50xi32, #tpu.memory_space<vmem>>
      %dma_wait3A_344 = tpu.memref_squeeze %dma_wait3A_343 : memref<1x50xi32, #tpu.memory_space<vmem>> -> memref<50xi32, #tpu.memory_space<vmem>>
      %dma_wait3A_345 = arith.constant 0 : i32
      %dma_wait3A_346 = arith.constant 0 : i32
      %dma_wait3A_347 = tpu.memref_slice %arg3[%dma_wait3A_345, %dma_wait3A_346] : memref<1000000x64xf32, #tpu.memory_space<hbm>> -> memref<1000000x64xf32, #tpu.memory_space<hbm>>
      tpu.wait_indirect_dma semaphore(%arg8 : memref<!tpu.dma_semaphore, #tpu.memory_space<semaphore_mem>>) src(%dma_wait3A_347 : memref<1000000x64xf32, #tpu.memory_space<hbm>>) dst(%dma_wait3A_341 : memref<50x64xf32, #tpu.memory_space<vmem>>)
      %dma_wait3A_348 = arith.constant 12 : i32
      %dma_wait3A_349 = arith.constant 12 : i32
      %dma_wait3A_350 = arith.constant 0 : i32
      %dma_wait3A_351 = arith.constant 0 : i32
      %dma_wait3A_352 = tpu.memref_slice %arg6[%dma_wait3A_349, %dma_wait3A_350, %dma_wait3A_351] : memref<16x50x64xf32, #tpu.memory_space<vmem>> -> memref<1x50x64xf32, #tpu.memory_space<vmem>>
      %dma_wait3A_353 = tpu.memref_squeeze %dma_wait3A_352 : memref<1x50x64xf32, #tpu.memory_space<vmem>> -> memref<50x64xf32, #tpu.memory_space<vmem>>
      %dma_wait3A_354 = arith.constant 0 : i32
      %dma_wait3A_355 = tpu.memref_slice %arg5[%dma_wait3A_348, %dma_wait3A_354] : memref<16x50xi32, #tpu.memory_space<vmem>> -> memref<1x50xi32, #tpu.memory_space<vmem>>
      %dma_wait3A_356 = tpu.memref_squeeze %dma_wait3A_355 : memref<1x50xi32, #tpu.memory_space<vmem>> -> memref<50xi32, #tpu.memory_space<vmem>>
      %dma_wait3A_357 = arith.constant 0 : i32
      %dma_wait3A_358 = arith.constant 0 : i32
      %dma_wait3A_359 = tpu.memref_slice %arg3[%dma_wait3A_357, %dma_wait3A_358] : memref<1000000x64xf32, #tpu.memory_space<hbm>> -> memref<1000000x64xf32, #tpu.memory_space<hbm>>
      tpu.wait_indirect_dma semaphore(%arg8 : memref<!tpu.dma_semaphore, #tpu.memory_space<semaphore_mem>>) src(%dma_wait3A_359 : memref<1000000x64xf32, #tpu.memory_space<hbm>>) dst(%dma_wait3A_353 : memref<50x64xf32, #tpu.memory_space<vmem>>)
      %dma_wait3A_360 = arith.constant 13 : i32
      %dma_wait3A_361 = arith.constant 13 : i32
      %dma_wait3A_362 = arith.constant 0 : i32
      %dma_wait3A_363 = arith.constant 0 : i32
      %dma_wait3A_364 = tpu.memref_slice %arg6[%dma_wait3A_361, %dma_wait3A_362, %dma_wait3A_363] : memref<16x50x64xf32, #tpu.memory_space<vmem>> -> memref<1x50x64xf32, #tpu.memory_space<vmem>>
      %dma_wait3A_365 = tpu.memref_squeeze %dma_wait3A_364 : memref<1x50x64xf32, #tpu.memory_space<vmem>> -> memref<50x64xf32, #tpu.memory_space<vmem>>
      %dma_wait3A_366 = arith.constant 0 : i32
      %dma_wait3A_367 = tpu.memref_slice %arg5[%dma_wait3A_360, %dma_wait3A_366] : memref<16x50xi32, #tpu.memory_space<vmem>> -> memref<1x50xi32, #tpu.memory_space<vmem>>
      %dma_wait3A_368 = tpu.memref_squeeze %dma_wait3A_367 : memref<1x50xi32, #tpu.memory_space<vmem>> -> memref<50xi32, #tpu.memory_space<vmem>>
      %dma_wait3A_369 = arith.constant 0 : i32
      %dma_wait3A_370 = arith.constant 0 : i32
      %dma_wait3A_371 = tpu.memref_slice %arg3[%dma_wait3A_369, %dma_wait3A_370] : memref<1000000x64xf32, #tpu.memory_space<hbm>> -> memref<1000000x64xf32, #tpu.memory_space<hbm>>
      tpu.wait_indirect_dma semaphore(%arg8 : memref<!tpu.dma_semaphore, #tpu.memory_space<semaphore_mem>>) src(%dma_wait3A_371 : memref<1000000x64xf32, #tpu.memory_space<hbm>>) dst(%dma_wait3A_365 : memref<50x64xf32, #tpu.memory_space<vmem>>)
      %dma_wait3A_372 = arith.constant 14 : i32
      %dma_wait3A_373 = arith.constant 14 : i32
      %dma_wait3A_374 = arith.constant 0 : i32
      %dma_wait3A_375 = arith.constant 0 : i32
      %dma_wait3A_376 = tpu.memref_slice %arg6[%dma_wait3A_373, %dma_wait3A_374, %dma_wait3A_375] : memref<16x50x64xf32, #tpu.memory_space<vmem>> -> memref<1x50x64xf32, #tpu.memory_space<vmem>>
      %dma_wait3A_377 = tpu.memref_squeeze %dma_wait3A_376 : memref<1x50x64xf32, #tpu.memory_space<vmem>> -> memref<50x64xf32, #tpu.memory_space<vmem>>
      %dma_wait3A_378 = arith.constant 0 : i32
      %dma_wait3A_379 = tpu.memref_slice %arg5[%dma_wait3A_372, %dma_wait3A_378] : memref<16x50xi32, #tpu.memory_space<vmem>> -> memref<1x50xi32, #tpu.memory_space<vmem>>
      %dma_wait3A_380 = tpu.memref_squeeze %dma_wait3A_379 : memref<1x50xi32, #tpu.memory_space<vmem>> -> memref<50xi32, #tpu.memory_space<vmem>>
      %dma_wait3A_381 = arith.constant 0 : i32
      %dma_wait3A_382 = arith.constant 0 : i32
      %dma_wait3A_383 = tpu.memref_slice %arg3[%dma_wait3A_381, %dma_wait3A_382] : memref<1000000x64xf32, #tpu.memory_space<hbm>> -> memref<1000000x64xf32, #tpu.memory_space<hbm>>
      tpu.wait_indirect_dma semaphore(%arg8 : memref<!tpu.dma_semaphore, #tpu.memory_space<semaphore_mem>>) src(%dma_wait3A_383 : memref<1000000x64xf32, #tpu.memory_space<hbm>>) dst(%dma_wait3A_377 : memref<50x64xf32, #tpu.memory_space<vmem>>)
      %dma_wait3A_384 = arith.constant 15 : i32
      %dma_wait3A_385 = arith.constant 15 : i32
      %dma_wait3A_386 = arith.constant 0 : i32
      %dma_wait3A_387 = arith.constant 0 : i32
      %dma_wait3A_388 = tpu.memref_slice %arg6[%dma_wait3A_385, %dma_wait3A_386, %dma_wait3A_387] : memref<16x50x64xf32, #tpu.memory_space<vmem>> -> memref<1x50x64xf32, #tpu.memory_space<vmem>>
      %dma_wait3A_389 = tpu.memref_squeeze %dma_wait3A_388 : memref<1x50x64xf32, #tpu.memory_space<vmem>> -> memref<50x64xf32, #tpu.memory_space<vmem>>
      %dma_wait3A_390 = arith.constant 0 : i32
      %dma_wait3A_391 = tpu.memref_slice %arg5[%dma_wait3A_384, %dma_wait3A_390] : memref<16x50xi32, #tpu.memory_space<vmem>> -> memref<1x50xi32, #tpu.memory_space<vmem>>
      %dma_wait3A_392 = tpu.memref_squeeze %dma_wait3A_391 : memref<1x50xi32, #tpu.memory_space<vmem>> -> memref<50xi32, #tpu.memory_space<vmem>>
      %dma_wait3A_393 = arith.constant 0 : i32
      %dma_wait3A_394 = arith.constant 0 : i32
      %dma_wait3A_395 = tpu.memref_slice %arg3[%dma_wait3A_393, %dma_wait3A_394] : memref<1000000x64xf32, #tpu.memory_space<hbm>> -> memref<1000000x64xf32, #tpu.memory_space<hbm>>
      tpu.wait_indirect_dma semaphore(%arg8 : memref<!tpu.dma_semaphore, #tpu.memory_space<semaphore_mem>>) src(%dma_wait3A_395 : memref<1000000x64xf32, #tpu.memory_space<hbm>>) dst(%dma_wait3A_389 : memref<50x64xf32, #tpu.memory_space<vmem>>)
      %broadcast_in_dim3A = arith.constant 0.000000e+00 : f32
      %broadcast_in_dim3A_396 = vector.broadcast %broadcast_in_dim3A : f32 to vector<16xf32>
      %broadcast_in_dim3A_397 = arith.constant 0.000000e+00 : f32
      %broadcast_in_dim3A_398 = vector.broadcast %broadcast_in_dim3A_397 : f32 to vector<16xf32>
      %broadcast_in_dim3A_399 = arith.constant 0.000000e+00 : f32
      %broadcast_in_dim3A_400 = vector.broadcast %broadcast_in_dim3A_399 : f32 to vector<16xf32>
      %broadcast_in_dim3A_401 = arith.constant 0.000000e+00 : f32
      %broadcast_in_dim3A_402 = vector.broadcast %broadcast_in_dim3A_401 : f32 to vector<16xf32>
      %scan3A_403 = arith.constant 0 : i32
      %scan3A_404 = arith.constant 50 : i32
      %scan3A_405 = arith.addi %scan3A_403, %scan3A_404 : i32
      %scan3A_406 = arith.constant 1 : i32
      %scan3A_407:4 = scf.for %scan3A_1195 = %scan3A_403 to %scan3A_405 step %scan3A_406 iter_args(%scan3A_1196 = %broadcast_in_dim3A_396, %scan3A_1197 = %broadcast_in_dim3A_398, %scan3A_1198 = %broadcast_in_dim3A_400, %scan3A_1199 = %broadcast_in_dim3A_402) -> (vector<16xf32>, vector<16xf32>, vector<16xf32>, vector<16xf32>)  : i32 {
        %get3A = arith.constant 0 : i32
        %get3A_1200 = arith.index_cast %get3A : i32 to index
        %get3A_1201 = arith.index_cast %scan3A_1195 : i32 to index
        %get3A_1202 = arith.constant 0 : index
        %get3A_1203 = tpu.vector_load %arg6[%get3A_1200, %get3A_1201, %get3A_1202] {strides = array<i32>} : memref<16x50x64xf32, #tpu.memory_space<vmem>>, vector<1x1x16xf32>,
        %get3A_1204 = vector.shape_cast %get3A_1203 : vector<1x1x16xf32> to vector<16xf32>
        %add3A_1205 = arith.addf %scan3A_1196, %get3A_1204 : vector<16xf32>
        %get3A_1206 = arith.constant 0 : i32
        %get3A_1207 = arith.index_cast %get3A_1206 : i32 to index
        %get3A_1208 = arith.index_cast %scan3A_1195 : i32 to index
        %get3A_1209 = arith.constant 16 : index
        %get3A_1210 = tpu.vector_load %arg6[%get3A_1207, %get3A_1208, %get3A_1209] {strides = array<i32>} : memref<16x50x64xf32, #tpu.memory_space<vmem>>, vector<1x1x16xf32>,
        %get3A_1211 = vector.shape_cast %get3A_1210 : vector<1x1x16xf32> to vector<16xf32>
        %add3A_1212 = arith.addf %scan3A_1197, %get3A_1211 : vector<16xf32>
        %get3A_1213 = arith.constant 0 : i32
        %get3A_1214 = arith.index_cast %get3A_1213 : i32 to index
        %get3A_1215 = arith.index_cast %scan3A_1195 : i32 to index
        %get3A_1216 = arith.constant 32 : index
        %get3A_1217 = tpu.vector_load %arg6[%get3A_1214, %get3A_1215, %get3A_1216] {strides = array<i32>} : memref<16x50x64xf32, #tpu.memory_space<vmem>>, vector<1x1x16xf32>,
        %get3A_1218 = vector.shape_cast %get3A_1217 : vector<1x1x16xf32> to vector<16xf32>
        %add3A_1219 = arith.addf %scan3A_1198, %get3A_1218 : vector<16xf32>
        %get3A_1220 = arith.constant 0 : i32
        %get3A_1221 = arith.index_cast %get3A_1220 : i32 to index
        %get3A_1222 = arith.index_cast %scan3A_1195 : i32 to index
        %get3A_1223 = arith.constant 48 : index
        %get3A_1224 = tpu.vector_load %arg6[%get3A_1221, %get3A_1222, %get3A_1223] {strides = array<i32>} : memref<16x50x64xf32, #tpu.memory_space<vmem>>, vector<1x1x16xf32>,
        %get3A_1225 = vector.shape_cast %get3A_1224 : vector<1x1x16xf32> to vector<16xf32>
        %add3A_1226 = arith.addf %scan3A_1199, %get3A_1225 : vector<16xf32>
        scf.yield %add3A_1205, %add3A_1212, %add3A_1219, %add3A_1226 : vector<16xf32>, vector<16xf32>, vector<16xf32>, vector<16xf32>
      }
      %scan3A_408 = arith.constant 50 : i32
      %mul3A_409 = arith.constant 2.000000e-02 : f32
      %mul3A_410 = vector.broadcast %mul3A_409 : f32 to vector<16xf32>
      %mul3A_411 = arith.mulf %scan3A_407#0, %mul3A_410 : vector<16xf32>
      %swap3A = arith.constant 0 : i32
      %swap3A_412 = arith.index_cast %swap3A : i32 to index
      %swap3A_413 = arith.constant 0 : index
      %swap3A_414 = tpu.vector_load %arg7[%swap3A_412, %swap3A_413] {strides = array<i32>} : memref<16x64xf32, #tpu.memory_space<vmem>>, vector<1x16xf32>,
      %swap3A_415 = vector.shape_cast %swap3A_414 : vector<1x16xf32> to vector<16xf32>
      %swap3A_416 = vector.shape_cast %mul3A_411 : vector<16xf32> to vector<1x16xf32>
      tpu.vector_store %arg7[%swap3A_412, %swap3A_413], %swap3A_416 {strides = array<i32>} : memref<16x64xf32, #tpu.memory_space<vmem>>, vector<1x16xf32>,
      %mul3A_417 = arith.constant 2.000000e-02 : f32
      %mul3A_418 = vector.broadcast %mul3A_417 : f32 to vector<16xf32>
      %mul3A_419 = arith.mulf %scan3A_407#1, %mul3A_418 : vector<16xf32>
      %swap3A_420 = arith.constant 0 : i32
      %swap3A_421 = arith.index_cast %swap3A_420 : i32 to index
      %swap3A_422 = arith.constant 16 : index
      %swap3A_423 = tpu.vector_load %arg7[%swap3A_421, %swap3A_422] {strides = array<i32>} : memref<16x64xf32, #tpu.memory_space<vmem>>, vector<1x16xf32>,
      %swap3A_424 = vector.shape_cast %swap3A_423 : vector<1x16xf32> to vector<16xf32>
      %swap3A_425 = vector.shape_cast %mul3A_419 : vector<16xf32> to vector<1x16xf32>
      tpu.vector_store %arg7[%swap3A_421, %swap3A_422], %swap3A_425 {strides = array<i32>} : memref<16x64xf32, #tpu.memory_space<vmem>>, vector<1x16xf32>,
      %mul3A_426 = arith.constant 2.000000e-02 : f32
      %mul3A_427 = vector.broadcast %mul3A_426 : f32 to vector<16xf32>
      %mul3A_428 = arith.mulf %scan3A_407#2, %mul3A_427 : vector<16xf32>
      %swap3A_429 = arith.constant 0 : i32
      %swap3A_430 = arith.index_cast %swap3A_429 : i32 to index
      %swap3A_431 = arith.constant 32 : index
      %swap3A_432 = tpu.vector_load %arg7[%swap3A_430, %swap3A_431] {strides = array<i32>} : memref<16x64xf32, #tpu.memory_space<vmem>>, vector<1x16xf32>,
      %swap3A_433 = vector.shape_cast %swap3A_432 : vector<1x16xf32> to vector<16xf32>
      %swap3A_434 = vector.shape_cast %mul3A_428 : vector<16xf32> to vector<1x16xf32>
      tpu.vector_store %arg7[%swap3A_430, %swap3A_431], %swap3A_434 {strides = array<i32>} : memref<16x64xf32, #tpu.memory_space<vmem>>, vector<1x16xf32>,
      %mul3A_435 = arith.constant 2.000000e-02 : f32
      %mul3A_436 = vector.broadcast %mul3A_435 : f32 to vector<16xf32>
      %mul3A_437 = arith.mulf %scan3A_407#3, %mul3A_436 : vector<16xf32>
      %swap3A_438 = arith.constant 0 : i32
      %swap3A_439 = arith.index_cast %swap3A_438 : i32 to index
      %swap3A_440 = arith.constant 48 : index
      %swap3A_441 = tpu.vector_load %arg7[%swap3A_439, %swap3A_440] {strides = array<i32>} : memref<16x64xf32, #tpu.memory_space<vmem>>, vector<1x16xf32>,
      %swap3A_442 = vector.shape_cast %swap3A_441 : vector<1x16xf32> to vector<16xf32>
      %swap3A_443 = vector.shape_cast %mul3A_437 : vector<16xf32> to vector<1x16xf32>
      tpu.vector_store %arg7[%swap3A_439, %swap3A_440], %swap3A_443 {strides = array<i32>} : memref<16x64xf32, #tpu.memory_space<vmem>>, vector<1x16xf32>,
      %broadcast_in_dim3A_444 = arith.constant 0.000000e+00 : f32
      %broadcast_in_dim3A_445 = vector.broadcast %broadcast_in_dim3A_444 : f32 to vector<16xf32>
      %broadcast_in_dim3A_446 = arith.constant 0.000000e+00 : f32
      %broadcast_in_dim3A_447 = vector.broadcast %broadcast_in_dim3A_446 : f32 to vector<16xf32>
      %broadcast_in_dim3A_448 = arith.constant 0.000000e+00 : f32
      %broadcast_in_dim3A_449 = vector.broadcast %broadcast_in_dim3A_448 : f32 to vector<16xf32>
      %broadcast_in_dim3A_450 = arith.constant 0.000000e+00 : f32
      %broadcast_in_dim3A_451 = vector.broadcast %broadcast_in_dim3A_450 : f32 to vector<16xf32>
      %scan3A_452 = arith.constant 0 : i32
      %scan3A_453 = arith.constant 50 : i32
      %scan3A_454 = arith.addi %scan3A_452, %scan3A_453 : i32
      %scan3A_455 = arith.constant 1 : i32
      %scan3A_456:4 = scf.for %scan3A_1195 = %scan3A_452 to %scan3A_454 step %scan3A_455 iter_args(%scan3A_1196 = %broadcast_in_dim3A_445, %scan3A_1197 = %broadcast_in_dim3A_447, %scan3A_1198 = %broadcast_in_dim3A_449, %scan3A_1199 = %broadcast_in_dim3A_451) -> (vector<16xf32>, vector<16xf32>, vector<16xf32>, vector<16xf32>)  : i32 {
        %get3A = arith.constant 1 : i32
        %get3A_1200 = arith.index_cast %get3A : i32 to index
        %get3A_1201 = arith.index_cast %scan3A_1195 : i32 to index
        %get3A_1202 = arith.constant 0 : index
        %get3A_1203 = tpu.vector_load %arg6[%get3A_1200, %get3A_1201, %get3A_1202] {strides = array<i32>} : memref<16x50x64xf32, #tpu.memory_space<vmem>>, vector<1x1x16xf32>,
        %get3A_1204 = vector.shape_cast %get3A_1203 : vector<1x1x16xf32> to vector<16xf32>
        %add3A_1205 = arith.addf %scan3A_1196, %get3A_1204 : vector<16xf32>
        %get3A_1206 = arith.constant 1 : i32
        %get3A_1207 = arith.index_cast %get3A_1206 : i32 to index
        %get3A_1208 = arith.index_cast %scan3A_1195 : i32 to index
        %get3A_1209 = arith.constant 16 : index
        %get3A_1210 = tpu.vector_load %arg6[%get3A_1207, %get3A_1208, %get3A_1209] {strides = array<i32>} : memref<16x50x64xf32, #tpu.memory_space<vmem>>, vector<1x1x16xf32>,
        %get3A_1211 = vector.shape_cast %get3A_1210 : vector<1x1x16xf32> to vector<16xf32>
        %add3A_1212 = arith.addf %scan3A_1197, %get3A_1211 : vector<16xf32>
        %get3A_1213 = arith.constant 1 : i32
        %get3A_1214 = arith.index_cast %get3A_1213 : i32 to index
        %get3A_1215 = arith.index_cast %scan3A_1195 : i32 to index
        %get3A_1216 = arith.constant 32 : index
        %get3A_1217 = tpu.vector_load %arg6[%get3A_1214, %get3A_1215, %get3A_1216] {strides = array<i32>} : memref<16x50x64xf32, #tpu.memory_space<vmem>>, vector<1x1x16xf32>,
        %get3A_1218 = vector.shape_cast %get3A_1217 : vector<1x1x16xf32> to vector<16xf32>
        %add3A_1219 = arith.addf %scan3A_1198, %get3A_1218 : vector<16xf32>
        %get3A_1220 = arith.constant 1 : i32
        %get3A_1221 = arith.index_cast %get3A_1220 : i32 to index
        %get3A_1222 = arith.index_cast %scan3A_1195 : i32 to index
        %get3A_1223 = arith.constant 48 : index
        %get3A_1224 = tpu.vector_load %arg6[%get3A_1221, %get3A_1222, %get3A_1223] {strides = array<i32>} : memref<16x50x64xf32, #tpu.memory_space<vmem>>, vector<1x1x16xf32>,
        %get3A_1225 = vector.shape_cast %get3A_1224 : vector<1x1x16xf32> to vector<16xf32>
        %add3A_1226 = arith.addf %scan3A_1199, %get3A_1225 : vector<16xf32>
        scf.yield %add3A_1205, %add3A_1212, %add3A_1219, %add3A_1226 : vector<16xf32>, vector<16xf32>, vector<16xf32>, vector<16xf32>
      }
      %scan3A_457 = arith.constant 50 : i32
      %mul3A_458 = arith.constant 2.000000e-02 : f32
      %mul3A_459 = vector.broadcast %mul3A_458 : f32 to vector<16xf32>
      %mul3A_460 = arith.mulf %scan3A_456#0, %mul3A_459 : vector<16xf32>
      %swap3A_461 = arith.constant 1 : i32
      %swap3A_462 = arith.index_cast %swap3A_461 : i32 to index
      %swap3A_463 = arith.constant 0 : index
      %swap3A_464 = tpu.vector_load %arg7[%swap3A_462, %swap3A_463] {strides = array<i32>} : memref<16x64xf32, #tpu.memory_space<vmem>>, vector<1x16xf32>,
      %swap3A_465 = vector.shape_cast %swap3A_464 : vector<1x16xf32> to vector<16xf32>
      %swap3A_466 = vector.shape_cast %mul3A_460 : vector<16xf32> to vector<1x16xf32>
      tpu.vector_store %arg7[%swap3A_462, %swap3A_463], %swap3A_466 {strides = array<i32>} : memref<16x64xf32, #tpu.memory_space<vmem>>, vector<1x16xf32>,
      %mul3A_467 = arith.constant 2.000000e-02 : f32
      %mul3A_468 = vector.broadcast %mul3A_467 : f32 to vector<16xf32>
      %mul3A_469 = arith.mulf %scan3A_456#1, %mul3A_468 : vector<16xf32>
      %swap3A_470 = arith.constant 1 : i32
      %swap3A_471 = arith.index_cast %swap3A_470 : i32 to index
      %swap3A_472 = arith.constant 16 : index
      %swap3A_473 = tpu.vector_load %arg7[%swap3A_471, %swap3A_472] {strides = array<i32>} : memref<16x64xf32, #tpu.memory_space<vmem>>, vector<1x16xf32>,
      %swap3A_474 = vector.shape_cast %swap3A_473 : vector<1x16xf32> to vector<16xf32>
      %swap3A_475 = vector.shape_cast %mul3A_469 : vector<16xf32> to vector<1x16xf32>
      tpu.vector_store %arg7[%swap3A_471, %swap3A_472], %swap3A_475 {strides = array<i32>} : memref<16x64xf32, #tpu.memory_space<vmem>>, vector<1x16xf32>,
      %mul3A_476 = arith.constant 2.000000e-02 : f32
      %mul3A_477 = vector.broadcast %mul3A_476 : f32 to vector<16xf32>
      %mul3A_478 = arith.mulf %scan3A_456#2, %mul3A_477 : vector<16xf32>
      %swap3A_479 = arith.constant 1 : i32
      %swap3A_480 = arith.index_cast %swap3A_479 : i32 to index
      %swap3A_481 = arith.constant 32 : index
      %swap3A_482 = tpu.vector_load %arg7[%swap3A_480, %swap3A_481] {strides = array<i32>} : memref<16x64xf32, #tpu.memory_space<vmem>>, vector<1x16xf32>,
      %swap3A_483 = vector.shape_cast %swap3A_482 : vector<1x16xf32> to vector<16xf32>
      %swap3A_484 = vector.shape_cast %mul3A_478 : vector<16xf32> to vector<1x16xf32>
      tpu.vector_store %arg7[%swap3A_480, %swap3A_481], %swap3A_484 {strides = array<i32>} : memref<16x64xf32, #tpu.memory_space<vmem>>, vector<1x16xf32>,
      %mul3A_485 = arith.constant 2.000000e-02 : f32
      %mul3A_486 = vector.broadcast %mul3A_485 : f32 to vector<16xf32>
      %mul3A_487 = arith.mulf %scan3A_456#3, %mul3A_486 : vector<16xf32>
      %swap3A_488 = arith.constant 1 : i32
      %swap3A_489 = arith.index_cast %swap3A_488 : i32 to index
      %swap3A_490 = arith.constant 48 : index
      %swap3A_491 = tpu.vector_load %arg7[%swap3A_489, %swap3A_490] {strides = array<i32>} : memref<16x64xf32, #tpu.memory_space<vmem>>, vector<1x16xf32>,
      %swap3A_492 = vector.shape_cast %swap3A_491 : vector<1x16xf32> to vector<16xf32>
      %swap3A_493 = vector.shape_cast %mul3A_487 : vector<16xf32> to vector<1x16xf32>
      tpu.vector_store %arg7[%swap3A_489, %swap3A_490], %swap3A_493 {strides = array<i32>} : memref<16x64xf32, #tpu.memory_space<vmem>>, vector<1x16xf32>,
      %broadcast_in_dim3A_494 = arith.constant 0.000000e+00 : f32
      %broadcast_in_dim3A_495 = vector.broadcast %broadcast_in_dim3A_494 : f32 to vector<16xf32>
      %broadcast_in_dim3A_496 = arith.constant 0.000000e+00 : f32
      %broadcast_in_dim3A_497 = vector.broadcast %broadcast_in_dim3A_496 : f32 to vector<16xf32>
      %broadcast_in_dim3A_498 = arith.constant 0.000000e+00 : f32
      %broadcast_in_dim3A_499 = vector.broadcast %broadcast_in_dim3A_498 : f32 to vector<16xf32>
      %broadcast_in_dim3A_500 = arith.constant 0.000000e+00 : f32
      %broadcast_in_dim3A_501 = vector.broadcast %broadcast_in_dim3A_500 : f32 to vector<16xf32>
      %scan3A_502 = arith.constant 0 : i32
      %scan3A_503 = arith.constant 50 : i32
      %scan3A_504 = arith.addi %scan3A_502, %scan3A_503 : i32
      %scan3A_505 = arith.constant 1 : i32
      %scan3A_506:4 = scf.for %scan3A_1195 = %scan3A_502 to %scan3A_504 step %scan3A_505 iter_args(%scan3A_1196 = %broadcast_in_dim3A_495, %scan3A_1197 = %broadcast_in_dim3A_497, %scan3A_1198 = %broadcast_in_dim3A_499, %scan3A_1199 = %broadcast_in_dim3A_501) -> (vector<16xf32>, vector<16xf32>, vector<16xf32>, vector<16xf32>)  : i32 {
        %get3A = arith.constant 2 : i32
        %get3A_1200 = arith.index_cast %get3A : i32 to index
        %get3A_1201 = arith.index_cast %scan3A_1195 : i32 to index
        %get3A_1202 = arith.constant 0 : index
        %get3A_1203 = tpu.vector_load %arg6[%get3A_1200, %get3A_1201, %get3A_1202] {strides = array<i32>} : memref<16x50x64xf32, #tpu.memory_space<vmem>>, vector<1x1x16xf32>,
        %get3A_1204 = vector.shape_cast %get3A_1203 : vector<1x1x16xf32> to vector<16xf32>
        %add3A_1205 = arith.addf %scan3A_1196, %get3A_1204 : vector<16xf32>
        %get3A_1206 = arith.constant 2 : i32
        %get3A_1207 = arith.index_cast %get3A_1206 : i32 to index
        %get3A_1208 = arith.index_cast %scan3A_1195 : i32 to index
        %get3A_1209 = arith.constant 16 : index
        %get3A_1210 = tpu.vector_load %arg6[%get3A_1207, %get3A_1208, %get3A_1209] {strides = array<i32>} : memref<16x50x64xf32, #tpu.memory_space<vmem>>, vector<1x1x16xf32>,
        %get3A_1211 = vector.shape_cast %get3A_1210 : vector<1x1x16xf32> to vector<16xf32>
        %add3A_1212 = arith.addf %scan3A_1197, %get3A_1211 : vector<16xf32>
        %get3A_1213 = arith.constant 2 : i32
        %get3A_1214 = arith.index_cast %get3A_1213 : i32 to index
        %get3A_1215 = arith.index_cast %scan3A_1195 : i32 to index
        %get3A_1216 = arith.constant 32 : index
        %get3A_1217 = tpu.vector_load %arg6[%get3A_1214, %get3A_1215, %get3A_1216] {strides = array<i32>} : memref<16x50x64xf32, #tpu.memory_space<vmem>>, vector<1x1x16xf32>,
        %get3A_1218 = vector.shape_cast %get3A_1217 : vector<1x1x16xf32> to vector<16xf32>
        %add3A_1219 = arith.addf %scan3A_1198, %get3A_1218 : vector<16xf32>
        %get3A_1220 = arith.constant 2 : i32
        %get3A_1221 = arith.index_cast %get3A_1220 : i32 to index
        %get3A_1222 = arith.index_cast %scan3A_1195 : i32 to index
        %get3A_1223 = arith.constant 48 : index
        %get3A_1224 = tpu.vector_load %arg6[%get3A_1221, %get3A_1222, %get3A_1223] {strides = array<i32>} : memref<16x50x64xf32, #tpu.memory_space<vmem>>, vector<1x1x16xf32>,
        %get3A_1225 = vector.shape_cast %get3A_1224 : vector<1x1x16xf32> to vector<16xf32>
        %add3A_1226 = arith.addf %scan3A_1199, %get3A_1225 : vector<16xf32>
        scf.yield %add3A_1205, %add3A_1212, %add3A_1219, %add3A_1226 : vector<16xf32>, vector<16xf32>, vector<16xf32>, vector<16xf32>
      }
      %scan3A_507 = arith.constant 50 : i32
      %mul3A_508 = arith.constant 2.000000e-02 : f32
      %mul3A_509 = vector.broadcast %mul3A_508 : f32 to vector<16xf32>
      %mul3A_510 = arith.mulf %scan3A_506#0, %mul3A_509 : vector<16xf32>
      %swap3A_511 = arith.constant 2 : i32
      %swap3A_512 = arith.index_cast %swap3A_511 : i32 to index
      %swap3A_513 = arith.constant 0 : index
      %swap3A_514 = tpu.vector_load %arg7[%swap3A_512, %swap3A_513] {strides = array<i32>} : memref<16x64xf32, #tpu.memory_space<vmem>>, vector<1x16xf32>,
      %swap3A_515 = vector.shape_cast %swap3A_514 : vector<1x16xf32> to vector<16xf32>
      %swap3A_516 = vector.shape_cast %mul3A_510 : vector<16xf32> to vector<1x16xf32>
      tpu.vector_store %arg7[%swap3A_512, %swap3A_513], %swap3A_516 {strides = array<i32>} : memref<16x64xf32, #tpu.memory_space<vmem>>, vector<1x16xf32>,
      %mul3A_517 = arith.constant 2.000000e-02 : f32
      %mul3A_518 = vector.broadcast %mul3A_517 : f32 to vector<16xf32>
      %mul3A_519 = arith.mulf %scan3A_506#1, %mul3A_518 : vector<16xf32>
      %swap3A_520 = arith.constant 2 : i32
      %swap3A_521 = arith.index_cast %swap3A_520 : i32 to index
      %swap3A_522 = arith.constant 16 : index
      %swap3A_523 = tpu.vector_load %arg7[%swap3A_521, %swap3A_522] {strides = array<i32>} : memref<16x64xf32, #tpu.memory_space<vmem>>, vector<1x16xf32>,
      %swap3A_524 = vector.shape_cast %swap3A_523 : vector<1x16xf32> to vector<16xf32>
      %swap3A_525 = vector.shape_cast %mul3A_519 : vector<16xf32> to vector<1x16xf32>
      tpu.vector_store %arg7[%swap3A_521, %swap3A_522], %swap3A_525 {strides = array<i32>} : memref<16x64xf32, #tpu.memory_space<vmem>>, vector<1x16xf32>,
      %mul3A_526 = arith.constant 2.000000e-02 : f32
      %mul3A_527 = vector.broadcast %mul3A_526 : f32 to vector<16xf32>
      %mul3A_528 = arith.mulf %scan3A_506#2, %mul3A_527 : vector<16xf32>
      %swap3A_529 = arith.constant 2 : i32
      %swap3A_530 = arith.index_cast %swap3A_529 : i32 to index
      %swap3A_531 = arith.constant 32 : index
      %swap3A_532 = tpu.vector_load %arg7[%swap3A_530, %swap3A_531] {strides = array<i32>} : memref<16x64xf32, #tpu.memory_space<vmem>>, vector<1x16xf32>,
      %swap3A_533 = vector.shape_cast %swap3A_532 : vector<1x16xf32> to vector<16xf32>
      %swap3A_534 = vector.shape_cast %mul3A_528 : vector<16xf32> to vector<1x16xf32>
      tpu.vector_store %arg7[%swap3A_530, %swap3A_531], %swap3A_534 {strides = array<i32>} : memref<16x64xf32, #tpu.memory_space<vmem>>, vector<1x16xf32>,
      %mul3A_535 = arith.constant 2.000000e-02 : f32
      %mul3A_536 = vector.broadcast %mul3A_535 : f32 to vector<16xf32>
      %mul3A_537 = arith.mulf %scan3A_506#3, %mul3A_536 : vector<16xf32>
      %swap3A_538 = arith.constant 2 : i32
      %swap3A_539 = arith.index_cast %swap3A_538 : i32 to index
      %swap3A_540 = arith.constant 48 : index
      %swap3A_541 = tpu.vector_load %arg7[%swap3A_539, %swap3A_540] {strides = array<i32>} : memref<16x64xf32, #tpu.memory_space<vmem>>, vector<1x16xf32>,
      %swap3A_542 = vector.shape_cast %swap3A_541 : vector<1x16xf32> to vector<16xf32>
      %swap3A_543 = vector.shape_cast %mul3A_537 : vector<16xf32> to vector<1x16xf32>
      tpu.vector_store %arg7[%swap3A_539, %swap3A_540], %swap3A_543 {strides = array<i32>} : memref<16x64xf32, #tpu.memory_space<vmem>>, vector<1x16xf32>,
      %broadcast_in_dim3A_544 = arith.constant 0.000000e+00 : f32
      %broadcast_in_dim3A_545 = vector.broadcast %broadcast_in_dim3A_544 : f32 to vector<16xf32>
      %broadcast_in_dim3A_546 = arith.constant 0.000000e+00 : f32
      %broadcast_in_dim3A_547 = vector.broadcast %broadcast_in_dim3A_546 : f32 to vector<16xf32>
      %broadcast_in_dim3A_548 = arith.constant 0.000000e+00 : f32
      %broadcast_in_dim3A_549 = vector.broadcast %broadcast_in_dim3A_548 : f32 to vector<16xf32>
      %broadcast_in_dim3A_550 = arith.constant 0.000000e+00 : f32
      %broadcast_in_dim3A_551 = vector.broadcast %broadcast_in_dim3A_550 : f32 to vector<16xf32>
      %scan3A_552 = arith.constant 0 : i32
      %scan3A_553 = arith.constant 50 : i32
      %scan3A_554 = arith.addi %scan3A_552, %scan3A_553 : i32
      %scan3A_555 = arith.constant 1 : i32
      %scan3A_556:4 = scf.for %scan3A_1195 = %scan3A_552 to %scan3A_554 step %scan3A_555 iter_args(%scan3A_1196 = %broadcast_in_dim3A_545, %scan3A_1197 = %broadcast_in_dim3A_547, %scan3A_1198 = %broadcast_in_dim3A_549, %scan3A_1199 = %broadcast_in_dim3A_551) -> (vector<16xf32>, vector<16xf32>, vector<16xf32>, vector<16xf32>)  : i32 {
        %get3A = arith.constant 3 : i32
        %get3A_1200 = arith.index_cast %get3A : i32 to index
        %get3A_1201 = arith.index_cast %scan3A_1195 : i32 to index
        %get3A_1202 = arith.constant 0 : index
        %get3A_1203 = tpu.vector_load %arg6[%get3A_1200, %get3A_1201, %get3A_1202] {strides = array<i32>} : memref<16x50x64xf32, #tpu.memory_space<vmem>>, vector<1x1x16xf32>,
        %get3A_1204 = vector.shape_cast %get3A_1203 : vector<1x1x16xf32> to vector<16xf32>
        %add3A_1205 = arith.addf %scan3A_1196, %get3A_1204 : vector<16xf32>
        %get3A_1206 = arith.constant 3 : i32
        %get3A_1207 = arith.index_cast %get3A_1206 : i32 to index
        %get3A_1208 = arith.index_cast %scan3A_1195 : i32 to index
        %get3A_1209 = arith.constant 16 : index
        %get3A_1210 = tpu.vector_load %arg6[%get3A_1207, %get3A_1208, %get3A_1209] {strides = array<i32>} : memref<16x50x64xf32, #tpu.memory_space<vmem>>, vector<1x1x16xf32>,
        %get3A_1211 = vector.shape_cast %get3A_1210 : vector<1x1x16xf32> to vector<16xf32>
        %add3A_1212 = arith.addf %scan3A_1197, %get3A_1211 : vector<16xf32>
        %get3A_1213 = arith.constant 3 : i32
        %get3A_1214 = arith.index_cast %get3A_1213 : i32 to index
        %get3A_1215 = arith.index_cast %scan3A_1195 : i32 to index
        %get3A_1216 = arith.constant 32 : index
        %get3A_1217 = tpu.vector_load %arg6[%get3A_1214, %get3A_1215, %get3A_1216] {strides = array<i32>} : memref<16x50x64xf32, #tpu.memory_space<vmem>>, vector<1x1x16xf32>,
        %get3A_1218 = vector.shape_cast %get3A_1217 : vector<1x1x16xf32> to vector<16xf32>
        %add3A_1219 = arith.addf %scan3A_1198, %get3A_1218 : vector<16xf32>
        %get3A_1220 = arith.constant 3 : i32
        %get3A_1221 = arith.index_cast %get3A_1220 : i32 to index
        %get3A_1222 = arith.index_cast %scan3A_1195 : i32 to index
        %get3A_1223 = arith.constant 48 : index
        %get3A_1224 = tpu.vector_load %arg6[%get3A_1221, %get3A_1222, %get3A_1223] {strides = array<i32>} : memref<16x50x64xf32, #tpu.memory_space<vmem>>, vector<1x1x16xf32>,
        %get3A_1225 = vector.shape_cast %get3A_1224 : vector<1x1x16xf32> to vector<16xf32>
        %add3A_1226 = arith.addf %scan3A_1199, %get3A_1225 : vector<16xf32>
        scf.yield %add3A_1205, %add3A_1212, %add3A_1219, %add3A_1226 : vector<16xf32>, vector<16xf32>, vector<16xf32>, vector<16xf32>
      }
      %scan3A_557 = arith.constant 50 : i32
      %mul3A_558 = arith.constant 2.000000e-02 : f32
      %mul3A_559 = vector.broadcast %mul3A_558 : f32 to vector<16xf32>
      %mul3A_560 = arith.mulf %scan3A_556#0, %mul3A_559 : vector<16xf32>
      %swap3A_561 = arith.constant 3 : i32
      %swap3A_562 = arith.index_cast %swap3A_561 : i32 to index
      %swap3A_563 = arith.constant 0 : index
      %swap3A_564 = tpu.vector_load %arg7[%swap3A_562, %swap3A_563] {strides = array<i32>} : memref<16x64xf32, #tpu.memory_space<vmem>>, vector<1x16xf32>,
      %swap3A_565 = vector.shape_cast %swap3A_564 : vector<1x16xf32> to vector<16xf32>
      %swap3A_566 = vector.shape_cast %mul3A_560 : vector<16xf32> to vector<1x16xf32>
      tpu.vector_store %arg7[%swap3A_562, %swap3A_563], %swap3A_566 {strides = array<i32>} : memref<16x64xf32, #tpu.memory_space<vmem>>, vector<1x16xf32>,
      %mul3A_567 = arith.constant 2.000000e-02 : f32
      %mul3A_568 = vector.broadcast %mul3A_567 : f32 to vector<16xf32>
      %mul3A_569 = arith.mulf %scan3A_556#1, %mul3A_568 : vector<16xf32>
      %swap3A_570 = arith.constant 3 : i32
      %swap3A_571 = arith.index_cast %swap3A_570 : i32 to index
      %swap3A_572 = arith.constant 16 : index
      %swap3A_573 = tpu.vector_load %arg7[%swap3A_571, %swap3A_572] {strides = array<i32>} : memref<16x64xf32, #tpu.memory_space<vmem>>, vector<1x16xf32>,
      %swap3A_574 = vector.shape_cast %swap3A_573 : vector<1x16xf32> to vector<16xf32>
      %swap3A_575 = vector.shape_cast %mul3A_569 : vector<16xf32> to vector<1x16xf32>
      tpu.vector_store %arg7[%swap3A_571, %swap3A_572], %swap3A_575 {strides = array<i32>} : memref<16x64xf32, #tpu.memory_space<vmem>>, vector<1x16xf32>,
      %mul3A_576 = arith.constant 2.000000e-02 : f32
      %mul3A_577 = vector.broadcast %mul3A_576 : f32 to vector<16xf32>
      %mul3A_578 = arith.mulf %scan3A_556#2, %mul3A_577 : vector<16xf32>
      %swap3A_579 = arith.constant 3 : i32
      %swap3A_580 = arith.index_cast %swap3A_579 : i32 to index
      %swap3A_581 = arith.constant 32 : index
      %swap3A_582 = tpu.vector_load %arg7[%swap3A_580, %swap3A_581] {strides = array<i32>} : memref<16x64xf32, #tpu.memory_space<vmem>>, vector<1x16xf32>,
      %swap3A_583 = vector.shape_cast %swap3A_582 : vector<1x16xf32> to vector<16xf32>
      %swap3A_584 = vector.shape_cast %mul3A_578 : vector<16xf32> to vector<1x16xf32>
      tpu.vector_store %arg7[%swap3A_580, %swap3A_581], %swap3A_584 {strides = array<i32>} : memref<16x64xf32, #tpu.memory_space<vmem>>, vector<1x16xf32>,
      %mul3A_585 = arith.constant 2.000000e-02 : f32
      %mul3A_586 = vector.broadcast %mul3A_585 : f32 to vector<16xf32>
      %mul3A_587 = arith.mulf %scan3A_556#3, %mul3A_586 : vector<16xf32>
      %swap3A_588 = arith.constant 3 : i32
      %swap3A_589 = arith.index_cast %swap3A_588 : i32 to index
      %swap3A_590 = arith.constant 48 : index
      %swap3A_591 = tpu.vector_load %arg7[%swap3A_589, %swap3A_590] {strides = array<i32>} : memref<16x64xf32, #tpu.memory_space<vmem>>, vector<1x16xf32>,
      %swap3A_592 = vector.shape_cast %swap3A_591 : vector<1x16xf32> to vector<16xf32>
      %swap3A_593 = vector.shape_cast %mul3A_587 : vector<16xf32> to vector<1x16xf32>
      tpu.vector_store %arg7[%swap3A_589, %swap3A_590], %swap3A_593 {strides = array<i32>} : memref<16x64xf32, #tpu.memory_space<vmem>>, vector<1x16xf32>,
      %broadcast_in_dim3A_594 = arith.constant 0.000000e+00 : f32
      %broadcast_in_dim3A_595 = vector.broadcast %broadcast_in_dim3A_594 : f32 to vector<16xf32>
      %broadcast_in_dim3A_596 = arith.constant 0.000000e+00 : f32
      %broadcast_in_dim3A_597 = vector.broadcast %broadcast_in_dim3A_596 : f32 to vector<16xf32>
      %broadcast_in_dim3A_598 = arith.constant 0.000000e+00 : f32
      %broadcast_in_dim3A_599 = vector.broadcast %broadcast_in_dim3A_598 : f32 to vector<16xf32>
      %broadcast_in_dim3A_600 = arith.constant 0.000000e+00 : f32
      %broadcast_in_dim3A_601 = vector.broadcast %broadcast_in_dim3A_600 : f32 to vector<16xf32>
      %scan3A_602 = arith.constant 0 : i32
      %scan3A_603 = arith.constant 50 : i32
      %scan3A_604 = arith.addi %scan3A_602, %scan3A_603 : i32
      %scan3A_605 = arith.constant 1 : i32
      %scan3A_606:4 = scf.for %scan3A_1195 = %scan3A_602 to %scan3A_604 step %scan3A_605 iter_args(%scan3A_1196 = %broadcast_in_dim3A_595, %scan3A_1197 = %broadcast_in_dim3A_597, %scan3A_1198 = %broadcast_in_dim3A_599, %scan3A_1199 = %broadcast_in_dim3A_601) -> (vector<16xf32>, vector<16xf32>, vector<16xf32>, vector<16xf32>)  : i32 {
        %get3A = arith.constant 4 : i32
        %get3A_1200 = arith.index_cast %get3A : i32 to index
        %get3A_1201 = arith.index_cast %scan3A_1195 : i32 to index
        %get3A_1202 = arith.constant 0 : index
        %get3A_1203 = tpu.vector_load %arg6[%get3A_1200, %get3A_1201, %get3A_1202] {strides = array<i32>} : memref<16x50x64xf32, #tpu.memory_space<vmem>>, vector<1x1x16xf32>,
        %get3A_1204 = vector.shape_cast %get3A_1203 : vector<1x1x16xf32> to vector<16xf32>
        %add3A_1205 = arith.addf %scan3A_1196, %get3A_1204 : vector<16xf32>
        %get3A_1206 = arith.constant 4 : i32
        %get3A_1207 = arith.index_cast %get3A_1206 : i32 to index
        %get3A_1208 = arith.index_cast %scan3A_1195 : i32 to index
        %get3A_1209 = arith.constant 16 : index
        %get3A_1210 = tpu.vector_load %arg6[%get3A_1207, %get3A_1208, %get3A_1209] {strides = array<i32>} : memref<16x50x64xf32, #tpu.memory_space<vmem>>, vector<1x1x16xf32>,
        %get3A_1211 = vector.shape_cast %get3A_1210 : vector<1x1x16xf32> to vector<16xf32>
        %add3A_1212 = arith.addf %scan3A_1197, %get3A_1211 : vector<16xf32>
        %get3A_1213 = arith.constant 4 : i32
        %get3A_1214 = arith.index_cast %get3A_1213 : i32 to index
        %get3A_1215 = arith.index_cast %scan3A_1195 : i32 to index
        %get3A_1216 = arith.constant 32 : index
        %get3A_1217 = tpu.vector_load %arg6[%get3A_1214, %get3A_1215, %get3A_1216] {strides = array<i32>} : memref<16x50x64xf32, #tpu.memory_space<vmem>>, vector<1x1x16xf32>,
        %get3A_1218 = vector.shape_cast %get3A_1217 : vector<1x1x16xf32> to vector<16xf32>
        %add3A_1219 = arith.addf %scan3A_1198, %get3A_1218 : vector<16xf32>
        %get3A_1220 = arith.constant 4 : i32
        %get3A_1221 = arith.index_cast %get3A_1220 : i32 to index
        %get3A_1222 = arith.index_cast %scan3A_1195 : i32 to index
        %get3A_1223 = arith.constant 48 : index
        %get3A_1224 = tpu.vector_load %arg6[%get3A_1221, %get3A_1222, %get3A_1223] {strides = array<i32>} : memref<16x50x64xf32, #tpu.memory_space<vmem>>, vector<1x1x16xf32>,
        %get3A_1225 = vector.shape_cast %get3A_1224 : vector<1x1x16xf32> to vector<16xf32>
        %add3A_1226 = arith.addf %scan3A_1199, %get3A_1225 : vector<16xf32>
        scf.yield %add3A_1205, %add3A_1212, %add3A_1219, %add3A_1226 : vector<16xf32>, vector<16xf32>, vector<16xf32>, vector<16xf32>
      }
      %scan3A_607 = arith.constant 50 : i32
      %mul3A_608 = arith.constant 2.000000e-02 : f32
      %mul3A_609 = vector.broadcast %mul3A_608 : f32 to vector<16xf32>
      %mul3A_610 = arith.mulf %scan3A_606#0, %mul3A_609 : vector<16xf32>
      %swap3A_611 = arith.constant 4 : i32
      %swap3A_612 = arith.index_cast %swap3A_611 : i32 to index
      %swap3A_613 = arith.constant 0 : index
      %swap3A_614 = tpu.vector_load %arg7[%swap3A_612, %swap3A_613] {strides = array<i32>} : memref<16x64xf32, #tpu.memory_space<vmem>>, vector<1x16xf32>,
      %swap3A_615 = vector.shape_cast %swap3A_614 : vector<1x16xf32> to vector<16xf32>
      %swap3A_616 = vector.shape_cast %mul3A_610 : vector<16xf32> to vector<1x16xf32>
      tpu.vector_store %arg7[%swap3A_612, %swap3A_613], %swap3A_616 {strides = array<i32>} : memref<16x64xf32, #tpu.memory_space<vmem>>, vector<1x16xf32>,
      %mul3A_617 = arith.constant 2.000000e-02 : f32
      %mul3A_618 = vector.broadcast %mul3A_617 : f32 to vector<16xf32>
      %mul3A_619 = arith.mulf %scan3A_606#1, %mul3A_618 : vector<16xf32>
      %swap3A_620 = arith.constant 4 : i32
      %swap3A_621 = arith.index_cast %swap3A_620 : i32 to index
      %swap3A_622 = arith.constant 16 : index
      %swap3A_623 = tpu.vector_load %arg7[%swap3A_621, %swap3A_622] {strides = array<i32>} : memref<16x64xf32, #tpu.memory_space<vmem>>, vector<1x16xf32>,
      %swap3A_624 = vector.shape_cast %swap3A_623 : vector<1x16xf32> to vector<16xf32>
      %swap3A_625 = vector.shape_cast %mul3A_619 : vector<16xf32> to vector<1x16xf32>
      tpu.vector_store %arg7[%swap3A_621, %swap3A_622], %swap3A_625 {strides = array<i32>} : memref<16x64xf32, #tpu.memory_space<vmem>>, vector<1x16xf32>,
      %mul3A_626 = arith.constant 2.000000e-02 : f32
      %mul3A_627 = vector.broadcast %mul3A_626 : f32 to vector<16xf32>
      %mul3A_628 = arith.mulf %scan3A_606#2, %mul3A_627 : vector<16xf32>
      %swap3A_629 = arith.constant 4 : i32
      %swap3A_630 = arith.index_cast %swap3A_629 : i32 to index
      %swap3A_631 = arith.constant 32 : index
      %swap3A_632 = tpu.vector_load %arg7[%swap3A_630, %swap3A_631] {strides = array<i32>} : memref<16x64xf32, #tpu.memory_space<vmem>>, vector<1x16xf32>,
      %swap3A_633 = vector.shape_cast %swap3A_632 : vector<1x16xf32> to vector<16xf32>
      %swap3A_634 = vector.shape_cast %mul3A_628 : vector<16xf32> to vector<1x16xf32>
      tpu.vector_store %arg7[%swap3A_630, %swap3A_631], %swap3A_634 {strides = array<i32>} : memref<16x64xf32, #tpu.memory_space<vmem>>, vector<1x16xf32>,
      %mul3A_635 = arith.constant 2.000000e-02 : f32
      %mul3A_636 = vector.broadcast %mul3A_635 : f32 to vector<16xf32>
      %mul3A_637 = arith.mulf %scan3A_606#3, %mul3A_636 : vector<16xf32>
      %swap3A_638 = arith.constant 4 : i32
      %swap3A_639 = arith.index_cast %swap3A_638 : i32 to index
      %swap3A_640 = arith.constant 48 : index
      %swap3A_641 = tpu.vector_load %arg7[%swap3A_639, %swap3A_640] {strides = array<i32>} : memref<16x64xf32, #tpu.memory_space<vmem>>, vector<1x16xf32>,
      %swap3A_642 = vector.shape_cast %swap3A_641 : vector<1x16xf32> to vector<16xf32>
      %swap3A_643 = vector.shape_cast %mul3A_637 : vector<16xf32> to vector<1x16xf32>
      tpu.vector_store %arg7[%swap3A_639, %swap3A_640], %swap3A_643 {strides = array<i32>} : memref<16x64xf32, #tpu.memory_space<vmem>>, vector<1x16xf32>,
      %broadcast_in_dim3A_644 = arith.constant 0.000000e+00 : f32
      %broadcast_in_dim3A_645 = vector.broadcast %broadcast_in_dim3A_644 : f32 to vector<16xf32>
      %broadcast_in_dim3A_646 = arith.constant 0.000000e+00 : f32
      %broadcast_in_dim3A_647 = vector.broadcast %broadcast_in_dim3A_646 : f32 to vector<16xf32>
      %broadcast_in_dim3A_648 = arith.constant 0.000000e+00 : f32
      %broadcast_in_dim3A_649 = vector.broadcast %broadcast_in_dim3A_648 : f32 to vector<16xf32>
      %broadcast_in_dim3A_650 = arith.constant 0.000000e+00 : f32
      %broadcast_in_dim3A_651 = vector.broadcast %broadcast_in_dim3A_650 : f32 to vector<16xf32>
      %scan3A_652 = arith.constant 0 : i32
      %scan3A_653 = arith.constant 50 : i32
      %scan3A_654 = arith.addi %scan3A_652, %scan3A_653 : i32
      %scan3A_655 = arith.constant 1 : i32
      %scan3A_656:4 = scf.for %scan3A_1195 = %scan3A_652 to %scan3A_654 step %scan3A_655 iter_args(%scan3A_1196 = %broadcast_in_dim3A_645, %scan3A_1197 = %broadcast_in_dim3A_647, %scan3A_1198 = %broadcast_in_dim3A_649, %scan3A_1199 = %broadcast_in_dim3A_651) -> (vector<16xf32>, vector<16xf32>, vector<16xf32>, vector<16xf32>)  : i32 {
        %get3A = arith.constant 5 : i32
        %get3A_1200 = arith.index_cast %get3A : i32 to index
        %get3A_1201 = arith.index_cast %scan3A_1195 : i32 to index
        %get3A_1202 = arith.constant 0 : index
        %get3A_1203 = tpu.vector_load %arg6[%get3A_1200, %get3A_1201, %get3A_1202] {strides = array<i32>} : memref<16x50x64xf32, #tpu.memory_space<vmem>>, vector<1x1x16xf32>,
        %get3A_1204 = vector.shape_cast %get3A_1203 : vector<1x1x16xf32> to vector<16xf32>
        %add3A_1205 = arith.addf %scan3A_1196, %get3A_1204 : vector<16xf32>
        %get3A_1206 = arith.constant 5 : i32
        %get3A_1207 = arith.index_cast %get3A_1206 : i32 to index
        %get3A_1208 = arith.index_cast %scan3A_1195 : i32 to index
        %get3A_1209 = arith.constant 16 : index
        %get3A_1210 = tpu.vector_load %arg6[%get3A_1207, %get3A_1208, %get3A_1209] {strides = array<i32>} : memref<16x50x64xf32, #tpu.memory_space<vmem>>, vector<1x1x16xf32>,
        %get3A_1211 = vector.shape_cast %get3A_1210 : vector<1x1x16xf32> to vector<16xf32>
        %add3A_1212 = arith.addf %scan3A_1197, %get3A_1211 : vector<16xf32>
        %get3A_1213 = arith.constant 5 : i32
        %get3A_1214 = arith.index_cast %get3A_1213 : i32 to index
        %get3A_1215 = arith.index_cast %scan3A_1195 : i32 to index
        %get3A_1216 = arith.constant 32 : index
        %get3A_1217 = tpu.vector_load %arg6[%get3A_1214, %get3A_1215, %get3A_1216] {strides = array<i32>} : memref<16x50x64xf32, #tpu.memory_space<vmem>>, vector<1x1x16xf32>,
        %get3A_1218 = vector.shape_cast %get3A_1217 : vector<1x1x16xf32> to vector<16xf32>
        %add3A_1219 = arith.addf %scan3A_1198, %get3A_1218 : vector<16xf32>
        %get3A_1220 = arith.constant 5 : i32
        %get3A_1221 = arith.index_cast %get3A_1220 : i32 to index
        %get3A_1222 = arith.index_cast %scan3A_1195 : i32 to index
        %get3A_1223 = arith.constant 48 : index
        %get3A_1224 = tpu.vector_load %arg6[%get3A_1221, %get3A_1222, %get3A_1223] {strides = array<i32>} : memref<16x50x64xf32, #tpu.memory_space<vmem>>, vector<1x1x16xf32>,
        %get3A_1225 = vector.shape_cast %get3A_1224 : vector<1x1x16xf32> to vector<16xf32>
        %add3A_1226 = arith.addf %scan3A_1199, %get3A_1225 : vector<16xf32>
        scf.yield %add3A_1205, %add3A_1212, %add3A_1219, %add3A_1226 : vector<16xf32>, vector<16xf32>, vector<16xf32>, vector<16xf32>
      }
      %scan3A_657 = arith.constant 50 : i32
      %mul3A_658 = arith.constant 2.000000e-02 : f32
      %mul3A_659 = vector.broadcast %mul3A_658 : f32 to vector<16xf32>
      %mul3A_660 = arith.mulf %scan3A_656#0, %mul3A_659 : vector<16xf32>
      %swap3A_661 = arith.constant 5 : i32
      %swap3A_662 = arith.index_cast %swap3A_661 : i32 to index
      %swap3A_663 = arith.constant 0 : index
      %swap3A_664 = tpu.vector_load %arg7[%swap3A_662, %swap3A_663] {strides = array<i32>} : memref<16x64xf32, #tpu.memory_space<vmem>>, vector<1x16xf32>,
      %swap3A_665 = vector.shape_cast %swap3A_664 : vector<1x16xf32> to vector<16xf32>
      %swap3A_666 = vector.shape_cast %mul3A_660 : vector<16xf32> to vector<1x16xf32>
      tpu.vector_store %arg7[%swap3A_662, %swap3A_663], %swap3A_666 {strides = array<i32>} : memref<16x64xf32, #tpu.memory_space<vmem>>, vector<1x16xf32>,
      %mul3A_667 = arith.constant 2.000000e-02 : f32
      %mul3A_668 = vector.broadcast %mul3A_667 : f32 to vector<16xf32>
      %mul3A_669 = arith.mulf %scan3A_656#1, %mul3A_668 : vector<16xf32>
      %swap3A_670 = arith.constant 5 : i32
      %swap3A_671 = arith.index_cast %swap3A_670 : i32 to index
      %swap3A_672 = arith.constant 16 : index
      %swap3A_673 = tpu.vector_load %arg7[%swap3A_671, %swap3A_672] {strides = array<i32>} : memref<16x64xf32, #tpu.memory_space<vmem>>, vector<1x16xf32>,
      %swap3A_674 = vector.shape_cast %swap3A_673 : vector<1x16xf32> to vector<16xf32>
      %swap3A_675 = vector.shape_cast %mul3A_669 : vector<16xf32> to vector<1x16xf32>
      tpu.vector_store %arg7[%swap3A_671, %swap3A_672], %swap3A_675 {strides = array<i32>} : memref<16x64xf32, #tpu.memory_space<vmem>>, vector<1x16xf32>,
      %mul3A_676 = arith.constant 2.000000e-02 : f32
      %mul3A_677 = vector.broadcast %mul3A_676 : f32 to vector<16xf32>
      %mul3A_678 = arith.mulf %scan3A_656#2, %mul3A_677 : vector<16xf32>
      %swap3A_679 = arith.constant 5 : i32
      %swap3A_680 = arith.index_cast %swap3A_679 : i32 to index
      %swap3A_681 = arith.constant 32 : index
      %swap3A_682 = tpu.vector_load %arg7[%swap3A_680, %swap3A_681] {strides = array<i32>} : memref<16x64xf32, #tpu.memory_space<vmem>>, vector<1x16xf32>,
      %swap3A_683 = vector.shape_cast %swap3A_682 : vector<1x16xf32> to vector<16xf32>
      %swap3A_684 = vector.shape_cast %mul3A_678 : vector<16xf32> to vector<1x16xf32>
      tpu.vector_store %arg7[%swap3A_680, %swap3A_681], %swap3A_684 {strides = array<i32>} : memref<16x64xf32, #tpu.memory_space<vmem>>, vector<1x16xf32>,
      %mul3A_685 = arith.constant 2.000000e-02 : f32
      %mul3A_686 = vector.broadcast %mul3A_685 : f32 to vector<16xf32>
      %mul3A_687 = arith.mulf %scan3A_656#3, %mul3A_686 : vector<16xf32>
      %swap3A_688 = arith.constant 5 : i32
      %swap3A_689 = arith.index_cast %swap3A_688 : i32 to index
      %swap3A_690 = arith.constant 48 : index
      %swap3A_691 = tpu.vector_load %arg7[%swap3A_689, %swap3A_690] {strides = array<i32>} : memref<16x64xf32, #tpu.memory_space<vmem>>, vector<1x16xf32>,
      %swap3A_692 = vector.shape_cast %swap3A_691 : vector<1x16xf32> to vector<16xf32>
      %swap3A_693 = vector.shape_cast %mul3A_687 : vector<16xf32> to vector<1x16xf32>
      tpu.vector_store %arg7[%swap3A_689, %swap3A_690], %swap3A_693 {strides = array<i32>} : memref<16x64xf32, #tpu.memory_space<vmem>>, vector<1x16xf32>,
      %broadcast_in_dim3A_694 = arith.constant 0.000000e+00 : f32
      %broadcast_in_dim3A_695 = vector.broadcast %broadcast_in_dim3A_694 : f32 to vector<16xf32>
      %broadcast_in_dim3A_696 = arith.constant 0.000000e+00 : f32
      %broadcast_in_dim3A_697 = vector.broadcast %broadcast_in_dim3A_696 : f32 to vector<16xf32>
      %broadcast_in_dim3A_698 = arith.constant 0.000000e+00 : f32
      %broadcast_in_dim3A_699 = vector.broadcast %broadcast_in_dim3A_698 : f32 to vector<16xf32>
      %broadcast_in_dim3A_700 = arith.constant 0.000000e+00 : f32
      %broadcast_in_dim3A_701 = vector.broadcast %broadcast_in_dim3A_700 : f32 to vector<16xf32>
      %scan3A_702 = arith.constant 0 : i32
      %scan3A_703 = arith.constant 50 : i32
      %scan3A_704 = arith.addi %scan3A_702, %scan3A_703 : i32
      %scan3A_705 = arith.constant 1 : i32
      %scan3A_706:4 = scf.for %scan3A_1195 = %scan3A_702 to %scan3A_704 step %scan3A_705 iter_args(%scan3A_1196 = %broadcast_in_dim3A_695, %scan3A_1197 = %broadcast_in_dim3A_697, %scan3A_1198 = %broadcast_in_dim3A_699, %scan3A_1199 = %broadcast_in_dim3A_701) -> (vector<16xf32>, vector<16xf32>, vector<16xf32>, vector<16xf32>)  : i32 {
        %get3A = arith.constant 6 : i32
        %get3A_1200 = arith.index_cast %get3A : i32 to index
        %get3A_1201 = arith.index_cast %scan3A_1195 : i32 to index
        %get3A_1202 = arith.constant 0 : index
        %get3A_1203 = tpu.vector_load %arg6[%get3A_1200, %get3A_1201, %get3A_1202] {strides = array<i32>} : memref<16x50x64xf32, #tpu.memory_space<vmem>>, vector<1x1x16xf32>,
        %get3A_1204 = vector.shape_cast %get3A_1203 : vector<1x1x16xf32> to vector<16xf32>
        %add3A_1205 = arith.addf %scan3A_1196, %get3A_1204 : vector<16xf32>
        %get3A_1206 = arith.constant 6 : i32
        %get3A_1207 = arith.index_cast %get3A_1206 : i32 to index
        %get3A_1208 = arith.index_cast %scan3A_1195 : i32 to index
        %get3A_1209 = arith.constant 16 : index
        %get3A_1210 = tpu.vector_load %arg6[%get3A_1207, %get3A_1208, %get3A_1209] {strides = array<i32>} : memref<16x50x64xf32, #tpu.memory_space<vmem>>, vector<1x1x16xf32>,
        %get3A_1211 = vector.shape_cast %get3A_1210 : vector<1x1x16xf32> to vector<16xf32>
        %add3A_1212 = arith.addf %scan3A_1197, %get3A_1211 : vector<16xf32>
        %get3A_1213 = arith.constant 6 : i32
        %get3A_1214 = arith.index_cast %get3A_1213 : i32 to index
        %get3A_1215 = arith.index_cast %scan3A_1195 : i32 to index
        %get3A_1216 = arith.constant 32 : index
        %get3A_1217 = tpu.vector_load %arg6[%get3A_1214, %get3A_1215, %get3A_1216] {strides = array<i32>} : memref<16x50x64xf32, #tpu.memory_space<vmem>>, vector<1x1x16xf32>,
        %get3A_1218 = vector.shape_cast %get3A_1217 : vector<1x1x16xf32> to vector<16xf32>
        %add3A_1219 = arith.addf %scan3A_1198, %get3A_1218 : vector<16xf32>
        %get3A_1220 = arith.constant 6 : i32
        %get3A_1221 = arith.index_cast %get3A_1220 : i32 to index
        %get3A_1222 = arith.index_cast %scan3A_1195 : i32 to index
        %get3A_1223 = arith.constant 48 : index
        %get3A_1224 = tpu.vector_load %arg6[%get3A_1221, %get3A_1222, %get3A_1223] {strides = array<i32>} : memref<16x50x64xf32, #tpu.memory_space<vmem>>, vector<1x1x16xf32>,
        %get3A_1225 = vector.shape_cast %get3A_1224 : vector<1x1x16xf32> to vector<16xf32>
        %add3A_1226 = arith.addf %scan3A_1199, %get3A_1225 : vector<16xf32>
        scf.yield %add3A_1205, %add3A_1212, %add3A_1219, %add3A_1226 : vector<16xf32>, vector<16xf32>, vector<16xf32>, vector<16xf32>
      }
      %scan3A_707 = arith.constant 50 : i32
      %mul3A_708 = arith.constant 2.000000e-02 : f32
      %mul3A_709 = vector.broadcast %mul3A_708 : f32 to vector<16xf32>
      %mul3A_710 = arith.mulf %scan3A_706#0, %mul3A_709 : vector<16xf32>
      %swap3A_711 = arith.constant 6 : i32
      %swap3A_712 = arith.index_cast %swap3A_711 : i32 to index
      %swap3A_713 = arith.constant 0 : index
      %swap3A_714 = tpu.vector_load %arg7[%swap3A_712, %swap3A_713] {strides = array<i32>} : memref<16x64xf32, #tpu.memory_space<vmem>>, vector<1x16xf32>,
      %swap3A_715 = vector.shape_cast %swap3A_714 : vector<1x16xf32> to vector<16xf32>
      %swap3A_716 = vector.shape_cast %mul3A_710 : vector<16xf32> to vector<1x16xf32>
      tpu.vector_store %arg7[%swap3A_712, %swap3A_713], %swap3A_716 {strides = array<i32>} : memref<16x64xf32, #tpu.memory_space<vmem>>, vector<1x16xf32>,
      %mul3A_717 = arith.constant 2.000000e-02 : f32
      %mul3A_718 = vector.broadcast %mul3A_717 : f32 to vector<16xf32>
      %mul3A_719 = arith.mulf %scan3A_706#1, %mul3A_718 : vector<16xf32>
      %swap3A_720 = arith.constant 6 : i32
      %swap3A_721 = arith.index_cast %swap3A_720 : i32 to index
      %swap3A_722 = arith.constant 16 : index
      %swap3A_723 = tpu.vector_load %arg7[%swap3A_721, %swap3A_722] {strides = array<i32>} : memref<16x64xf32, #tpu.memory_space<vmem>>, vector<1x16xf32>,
      %swap3A_724 = vector.shape_cast %swap3A_723 : vector<1x16xf32> to vector<16xf32>
      %swap3A_725 = vector.shape_cast %mul3A_719 : vector<16xf32> to vector<1x16xf32>
      tpu.vector_store %arg7[%swap3A_721, %swap3A_722], %swap3A_725 {strides = array<i32>} : memref<16x64xf32, #tpu.memory_space<vmem>>, vector<1x16xf32>,
      %mul3A_726 = arith.constant 2.000000e-02 : f32
      %mul3A_727 = vector.broadcast %mul3A_726 : f32 to vector<16xf32>
      %mul3A_728 = arith.mulf %scan3A_706#2, %mul3A_727 : vector<16xf32>
      %swap3A_729 = arith.constant 6 : i32
      %swap3A_730 = arith.index_cast %swap3A_729 : i32 to index
      %swap3A_731 = arith.constant 32 : index
      %swap3A_732 = tpu.vector_load %arg7[%swap3A_730, %swap3A_731] {strides = array<i32>} : memref<16x64xf32, #tpu.memory_space<vmem>>, vector<1x16xf32>,
      %swap3A_733 = vector.shape_cast %swap3A_732 : vector<1x16xf32> to vector<16xf32>
      %swap3A_734 = vector.shape_cast %mul3A_728 : vector<16xf32> to vector<1x16xf32>
      tpu.vector_store %arg7[%swap3A_730, %swap3A_731], %swap3A_734 {strides = array<i32>} : memref<16x64xf32, #tpu.memory_space<vmem>>, vector<1x16xf32>,
      %mul3A_735 = arith.constant 2.000000e-02 : f32
      %mul3A_736 = vector.broadcast %mul3A_735 : f32 to vector<16xf32>
      %mul3A_737 = arith.mulf %scan3A_706#3, %mul3A_736 : vector<16xf32>
      %swap3A_738 = arith.constant 6 : i32
      %swap3A_739 = arith.index_cast %swap3A_738 : i32 to index
      %swap3A_740 = arith.constant 48 : index
      %swap3A_741 = tpu.vector_load %arg7[%swap3A_739, %swap3A_740] {strides = array<i32>} : memref<16x64xf32, #tpu.memory_space<vmem>>, vector<1x16xf32>,
      %swap3A_742 = vector.shape_cast %swap3A_741 : vector<1x16xf32> to vector<16xf32>
      %swap3A_743 = vector.shape_cast %mul3A_737 : vector<16xf32> to vector<1x16xf32>
      tpu.vector_store %arg7[%swap3A_739, %swap3A_740], %swap3A_743 {strides = array<i32>} : memref<16x64xf32, #tpu.memory_space<vmem>>, vector<1x16xf32>,
      %broadcast_in_dim3A_744 = arith.constant 0.000000e+00 : f32
      %broadcast_in_dim3A_745 = vector.broadcast %broadcast_in_dim3A_744 : f32 to vector<16xf32>
      %broadcast_in_dim3A_746 = arith.constant 0.000000e+00 : f32
      %broadcast_in_dim3A_747 = vector.broadcast %broadcast_in_dim3A_746 : f32 to vector<16xf32>
      %broadcast_in_dim3A_748 = arith.constant 0.000000e+00 : f32
      %broadcast_in_dim3A_749 = vector.broadcast %broadcast_in_dim3A_748 : f32 to vector<16xf32>
      %broadcast_in_dim3A_750 = arith.constant 0.000000e+00 : f32
      %broadcast_in_dim3A_751 = vector.broadcast %broadcast_in_dim3A_750 : f32 to vector<16xf32>
      %scan3A_752 = arith.constant 0 : i32
      %scan3A_753 = arith.constant 50 : i32
      %scan3A_754 = arith.addi %scan3A_752, %scan3A_753 : i32
      %scan3A_755 = arith.constant 1 : i32
      %scan3A_756:4 = scf.for %scan3A_1195 = %scan3A_752 to %scan3A_754 step %scan3A_755 iter_args(%scan3A_1196 = %broadcast_in_dim3A_745, %scan3A_1197 = %broadcast_in_dim3A_747, %scan3A_1198 = %broadcast_in_dim3A_749, %scan3A_1199 = %broadcast_in_dim3A_751) -> (vector<16xf32>, vector<16xf32>, vector<16xf32>, vector<16xf32>)  : i32 {
        %get3A = arith.constant 7 : i32
        %get3A_1200 = arith.index_cast %get3A : i32 to index
        %get3A_1201 = arith.index_cast %scan3A_1195 : i32 to index
        %get3A_1202 = arith.constant 0 : index
        %get3A_1203 = tpu.vector_load %arg6[%get3A_1200, %get3A_1201, %get3A_1202] {strides = array<i32>} : memref<16x50x64xf32, #tpu.memory_space<vmem>>, vector<1x1x16xf32>,
        %get3A_1204 = vector.shape_cast %get3A_1203 : vector<1x1x16xf32> to vector<16xf32>
        %add3A_1205 = arith.addf %scan3A_1196, %get3A_1204 : vector<16xf32>
        %get3A_1206 = arith.constant 7 : i32
        %get3A_1207 = arith.index_cast %get3A_1206 : i32 to index
        %get3A_1208 = arith.index_cast %scan3A_1195 : i32 to index
        %get3A_1209 = arith.constant 16 : index
        %get3A_1210 = tpu.vector_load %arg6[%get3A_1207, %get3A_1208, %get3A_1209] {strides = array<i32>} : memref<16x50x64xf32, #tpu.memory_space<vmem>>, vector<1x1x16xf32>,
        %get3A_1211 = vector.shape_cast %get3A_1210 : vector<1x1x16xf32> to vector<16xf32>
        %add3A_1212 = arith.addf %scan3A_1197, %get3A_1211 : vector<16xf32>
        %get3A_1213 = arith.constant 7 : i32
        %get3A_1214 = arith.index_cast %get3A_1213 : i32 to index
        %get3A_1215 = arith.index_cast %scan3A_1195 : i32 to index
        %get3A_1216 = arith.constant 32 : index
        %get3A_1217 = tpu.vector_load %arg6[%get3A_1214, %get3A_1215, %get3A_1216] {strides = array<i32>} : memref<16x50x64xf32, #tpu.memory_space<vmem>>, vector<1x1x16xf32>,
        %get3A_1218 = vector.shape_cast %get3A_1217 : vector<1x1x16xf32> to vector<16xf32>
        %add3A_1219 = arith.addf %scan3A_1198, %get3A_1218 : vector<16xf32>
        %get3A_1220 = arith.constant 7 : i32
        %get3A_1221 = arith.index_cast %get3A_1220 : i32 to index
        %get3A_1222 = arith.index_cast %scan3A_1195 : i32 to index
        %get3A_1223 = arith.constant 48 : index
        %get3A_1224 = tpu.vector_load %arg6[%get3A_1221, %get3A_1222, %get3A_1223] {strides = array<i32>} : memref<16x50x64xf32, #tpu.memory_space<vmem>>, vector<1x1x16xf32>,
        %get3A_1225 = vector.shape_cast %get3A_1224 : vector<1x1x16xf32> to vector<16xf32>
        %add3A_1226 = arith.addf %scan3A_1199, %get3A_1225 : vector<16xf32>
        scf.yield %add3A_1205, %add3A_1212, %add3A_1219, %add3A_1226 : vector<16xf32>, vector<16xf32>, vector<16xf32>, vector<16xf32>
      }
      %scan3A_757 = arith.constant 50 : i32
      %mul3A_758 = arith.constant 2.000000e-02 : f32
      %mul3A_759 = vector.broadcast %mul3A_758 : f32 to vector<16xf32>
      %mul3A_760 = arith.mulf %scan3A_756#0, %mul3A_759 : vector<16xf32>
      %swap3A_761 = arith.constant 7 : i32
      %swap3A_762 = arith.index_cast %swap3A_761 : i32 to index
      %swap3A_763 = arith.constant 0 : index
      %swap3A_764 = tpu.vector_load %arg7[%swap3A_762, %swap3A_763] {strides = array<i32>} : memref<16x64xf32, #tpu.memory_space<vmem>>, vector<1x16xf32>,
      %swap3A_765 = vector.shape_cast %swap3A_764 : vector<1x16xf32> to vector<16xf32>
      %swap3A_766 = vector.shape_cast %mul3A_760 : vector<16xf32> to vector<1x16xf32>
      tpu.vector_store %arg7[%swap3A_762, %swap3A_763], %swap3A_766 {strides = array<i32>} : memref<16x64xf32, #tpu.memory_space<vmem>>, vector<1x16xf32>,
      %mul3A_767 = arith.constant 2.000000e-02 : f32
      %mul3A_768 = vector.broadcast %mul3A_767 : f32 to vector<16xf32>
      %mul3A_769 = arith.mulf %scan3A_756#1, %mul3A_768 : vector<16xf32>
      %swap3A_770 = arith.constant 7 : i32
      %swap3A_771 = arith.index_cast %swap3A_770 : i32 to index
      %swap3A_772 = arith.constant 16 : index
      %swap3A_773 = tpu.vector_load %arg7[%swap3A_771, %swap3A_772] {strides = array<i32>} : memref<16x64xf32, #tpu.memory_space<vmem>>, vector<1x16xf32>,
      %swap3A_774 = vector.shape_cast %swap3A_773 : vector<1x16xf32> to vector<16xf32>
      %swap3A_775 = vector.shape_cast %mul3A_769 : vector<16xf32> to vector<1x16xf32>
      tpu.vector_store %arg7[%swap3A_771, %swap3A_772], %swap3A_775 {strides = array<i32>} : memref<16x64xf32, #tpu.memory_space<vmem>>, vector<1x16xf32>,
      %mul3A_776 = arith.constant 2.000000e-02 : f32
      %mul3A_777 = vector.broadcast %mul3A_776 : f32 to vector<16xf32>
      %mul3A_778 = arith.mulf %scan3A_756#2, %mul3A_777 : vector<16xf32>
      %swap3A_779 = arith.constant 7 : i32
      %swap3A_780 = arith.index_cast %swap3A_779 : i32 to index
      %swap3A_781 = arith.constant 32 : index
      %swap3A_782 = tpu.vector_load %arg7[%swap3A_780, %swap3A_781] {strides = array<i32>} : memref<16x64xf32, #tpu.memory_space<vmem>>, vector<1x16xf32>,
      %swap3A_783 = vector.shape_cast %swap3A_782 : vector<1x16xf32> to vector<16xf32>
      %swap3A_784 = vector.shape_cast %mul3A_778 : vector<16xf32> to vector<1x16xf32>
      tpu.vector_store %arg7[%swap3A_780, %swap3A_781], %swap3A_784 {strides = array<i32>} : memref<16x64xf32, #tpu.memory_space<vmem>>, vector<1x16xf32>,
      %mul3A_785 = arith.constant 2.000000e-02 : f32
      %mul3A_786 = vector.broadcast %mul3A_785 : f32 to vector<16xf32>
      %mul3A_787 = arith.mulf %scan3A_756#3, %mul3A_786 : vector<16xf32>
      %swap3A_788 = arith.constant 7 : i32
      %swap3A_789 = arith.index_cast %swap3A_788 : i32 to index
      %swap3A_790 = arith.constant 48 : index
      %swap3A_791 = tpu.vector_load %arg7[%swap3A_789, %swap3A_790] {strides = array<i32>} : memref<16x64xf32, #tpu.memory_space<vmem>>, vector<1x16xf32>,
      %swap3A_792 = vector.shape_cast %swap3A_791 : vector<1x16xf32> to vector<16xf32>
      %swap3A_793 = vector.shape_cast %mul3A_787 : vector<16xf32> to vector<1x16xf32>
      tpu.vector_store %arg7[%swap3A_789, %swap3A_790], %swap3A_793 {strides = array<i32>} : memref<16x64xf32, #tpu.memory_space<vmem>>, vector<1x16xf32>,
      %broadcast_in_dim3A_794 = arith.constant 0.000000e+00 : f32
      %broadcast_in_dim3A_795 = vector.broadcast %broadcast_in_dim3A_794 : f32 to vector<16xf32>
      %broadcast_in_dim3A_796 = arith.constant 0.000000e+00 : f32
      %broadcast_in_dim3A_797 = vector.broadcast %broadcast_in_dim3A_796 : f32 to vector<16xf32>
      %broadcast_in_dim3A_798 = arith.constant 0.000000e+00 : f32
      %broadcast_in_dim3A_799 = vector.broadcast %broadcast_in_dim3A_798 : f32 to vector<16xf32>
      %broadcast_in_dim3A_800 = arith.constant 0.000000e+00 : f32
      %broadcast_in_dim3A_801 = vector.broadcast %broadcast_in_dim3A_800 : f32 to vector<16xf32>
      %scan3A_802 = arith.constant 0 : i32
      %scan3A_803 = arith.constant 50 : i32
      %scan3A_804 = arith.addi %scan3A_802, %scan3A_803 : i32
      %scan3A_805 = arith.constant 1 : i32
      %scan3A_806:4 = scf.for %scan3A_1195 = %scan3A_802 to %scan3A_804 step %scan3A_805 iter_args(%scan3A_1196 = %broadcast_in_dim3A_795, %scan3A_1197 = %broadcast_in_dim3A_797, %scan3A_1198 = %broadcast_in_dim3A_799, %scan3A_1199 = %broadcast_in_dim3A_801) -> (vector<16xf32>, vector<16xf32>, vector<16xf32>, vector<16xf32>)  : i32 {
        %get3A = arith.constant 8 : i32
        %get3A_1200 = arith.index_cast %get3A : i32 to index
        %get3A_1201 = arith.index_cast %scan3A_1195 : i32 to index
        %get3A_1202 = arith.constant 0 : index
        %get3A_1203 = tpu.vector_load %arg6[%get3A_1200, %get3A_1201, %get3A_1202] {strides = array<i32>} : memref<16x50x64xf32, #tpu.memory_space<vmem>>, vector<1x1x16xf32>,
        %get3A_1204 = vector.shape_cast %get3A_1203 : vector<1x1x16xf32> to vector<16xf32>
        %add3A_1205 = arith.addf %scan3A_1196, %get3A_1204 : vector<16xf32>
        %get3A_1206 = arith.constant 8 : i32
        %get3A_1207 = arith.index_cast %get3A_1206 : i32 to index
        %get3A_1208 = arith.index_cast %scan3A_1195 : i32 to index
        %get3A_1209 = arith.constant 16 : index
        %get3A_1210 = tpu.vector_load %arg6[%get3A_1207, %get3A_1208, %get3A_1209] {strides = array<i32>} : memref<16x50x64xf32, #tpu.memory_space<vmem>>, vector<1x1x16xf32>,
        %get3A_1211 = vector.shape_cast %get3A_1210 : vector<1x1x16xf32> to vector<16xf32>
        %add3A_1212 = arith.addf %scan3A_1197, %get3A_1211 : vector<16xf32>
        %get3A_1213 = arith.constant 8 : i32
        %get3A_1214 = arith.index_cast %get3A_1213 : i32 to index
        %get3A_1215 = arith.index_cast %scan3A_1195 : i32 to index
        %get3A_1216 = arith.constant 32 : index
        %get3A_1217 = tpu.vector_load %arg6[%get3A_1214, %get3A_1215, %get3A_1216] {strides = array<i32>} : memref<16x50x64xf32, #tpu.memory_space<vmem>>, vector<1x1x16xf32>,
        %get3A_1218 = vector.shape_cast %get3A_1217 : vector<1x1x16xf32> to vector<16xf32>
        %add3A_1219 = arith.addf %scan3A_1198, %get3A_1218 : vector<16xf32>
        %get3A_1220 = arith.constant 8 : i32
        %get3A_1221 = arith.index_cast %get3A_1220 : i32 to index
        %get3A_1222 = arith.index_cast %scan3A_1195 : i32 to index
        %get3A_1223 = arith.constant 48 : index
        %get3A_1224 = tpu.vector_load %arg6[%get3A_1221, %get3A_1222, %get3A_1223] {strides = array<i32>} : memref<16x50x64xf32, #tpu.memory_space<vmem>>, vector<1x1x16xf32>,
        %get3A_1225 = vector.shape_cast %get3A_1224 : vector<1x1x16xf32> to vector<16xf32>
        %add3A_1226 = arith.addf %scan3A_1199, %get3A_1225 : vector<16xf32>
        scf.yield %add3A_1205, %add3A_1212, %add3A_1219, %add3A_1226 : vector<16xf32>, vector<16xf32>, vector<16xf32>, vector<16xf32>
      }
      %scan3A_807 = arith.constant 50 : i32
      %mul3A_808 = arith.constant 2.000000e-02 : f32
      %mul3A_809 = vector.broadcast %mul3A_808 : f32 to vector<16xf32>
      %mul3A_810 = arith.mulf %scan3A_806#0, %mul3A_809 : vector<16xf32>
      %swap3A_811 = arith.constant 8 : i32
      %swap3A_812 = arith.index_cast %swap3A_811 : i32 to index
      %swap3A_813 = arith.constant 0 : index
      %swap3A_814 = tpu.vector_load %arg7[%swap3A_812, %swap3A_813] {strides = array<i32>} : memref<16x64xf32, #tpu.memory_space<vmem>>, vector<1x16xf32>,
      %swap3A_815 = vector.shape_cast %swap3A_814 : vector<1x16xf32> to vector<16xf32>
      %swap3A_816 = vector.shape_cast %mul3A_810 : vector<16xf32> to vector<1x16xf32>
      tpu.vector_store %arg7[%swap3A_812, %swap3A_813], %swap3A_816 {strides = array<i32>} : memref<16x64xf32, #tpu.memory_space<vmem>>, vector<1x16xf32>,
      %mul3A_817 = arith.constant 2.000000e-02 : f32
      %mul3A_818 = vector.broadcast %mul3A_817 : f32 to vector<16xf32>
      %mul3A_819 = arith.mulf %scan3A_806#1, %mul3A_818 : vector<16xf32>
      %swap3A_820 = arith.constant 8 : i32
      %swap3A_821 = arith.index_cast %swap3A_820 : i32 to index
      %swap3A_822 = arith.constant 16 : index
      %swap3A_823 = tpu.vector_load %arg7[%swap3A_821, %swap3A_822] {strides = array<i32>} : memref<16x64xf32, #tpu.memory_space<vmem>>, vector<1x16xf32>,
      %swap3A_824 = vector.shape_cast %swap3A_823 : vector<1x16xf32> to vector<16xf32>
      %swap3A_825 = vector.shape_cast %mul3A_819 : vector<16xf32> to vector<1x16xf32>
      tpu.vector_store %arg7[%swap3A_821, %swap3A_822], %swap3A_825 {strides = array<i32>} : memref<16x64xf32, #tpu.memory_space<vmem>>, vector<1x16xf32>,
      %mul3A_826 = arith.constant 2.000000e-02 : f32
      %mul3A_827 = vector.broadcast %mul3A_826 : f32 to vector<16xf32>
      %mul3A_828 = arith.mulf %scan3A_806#2, %mul3A_827 : vector<16xf32>
      %swap3A_829 = arith.constant 8 : i32
      %swap3A_830 = arith.index_cast %swap3A_829 : i32 to index
      %swap3A_831 = arith.constant 32 : index
      %swap3A_832 = tpu.vector_load %arg7[%swap3A_830, %swap3A_831] {strides = array<i32>} : memref<16x64xf32, #tpu.memory_space<vmem>>, vector<1x16xf32>,
      %swap3A_833 = vector.shape_cast %swap3A_832 : vector<1x16xf32> to vector<16xf32>
      %swap3A_834 = vector.shape_cast %mul3A_828 : vector<16xf32> to vector<1x16xf32>
      tpu.vector_store %arg7[%swap3A_830, %swap3A_831], %swap3A_834 {strides = array<i32>} : memref<16x64xf32, #tpu.memory_space<vmem>>, vector<1x16xf32>,
      %mul3A_835 = arith.constant 2.000000e-02 : f32
      %mul3A_836 = vector.broadcast %mul3A_835 : f32 to vector<16xf32>
      %mul3A_837 = arith.mulf %scan3A_806#3, %mul3A_836 : vector<16xf32>
      %swap3A_838 = arith.constant 8 : i32
      %swap3A_839 = arith.index_cast %swap3A_838 : i32 to index
      %swap3A_840 = arith.constant 48 : index
      %swap3A_841 = tpu.vector_load %arg7[%swap3A_839, %swap3A_840] {strides = array<i32>} : memref<16x64xf32, #tpu.memory_space<vmem>>, vector<1x16xf32>,
      %swap3A_842 = vector.shape_cast %swap3A_841 : vector<1x16xf32> to vector<16xf32>
      %swap3A_843 = vector.shape_cast %mul3A_837 : vector<16xf32> to vector<1x16xf32>
      tpu.vector_store %arg7[%swap3A_839, %swap3A_840], %swap3A_843 {strides = array<i32>} : memref<16x64xf32, #tpu.memory_space<vmem>>, vector<1x16xf32>,
      %broadcast_in_dim3A_844 = arith.constant 0.000000e+00 : f32
      %broadcast_in_dim3A_845 = vector.broadcast %broadcast_in_dim3A_844 : f32 to vector<16xf32>
      %broadcast_in_dim3A_846 = arith.constant 0.000000e+00 : f32
      %broadcast_in_dim3A_847 = vector.broadcast %broadcast_in_dim3A_846 : f32 to vector<16xf32>
      %broadcast_in_dim3A_848 = arith.constant 0.000000e+00 : f32
      %broadcast_in_dim3A_849 = vector.broadcast %broadcast_in_dim3A_848 : f32 to vector<16xf32>
      %broadcast_in_dim3A_850 = arith.constant 0.000000e+00 : f32
      %broadcast_in_dim3A_851 = vector.broadcast %broadcast_in_dim3A_850 : f32 to vector<16xf32>
      %scan3A_852 = arith.constant 0 : i32
      %scan3A_853 = arith.constant 50 : i32
      %scan3A_854 = arith.addi %scan3A_852, %scan3A_853 : i32
      %scan3A_855 = arith.constant 1 : i32
      %scan3A_856:4 = scf.for %scan3A_1195 = %scan3A_852 to %scan3A_854 step %scan3A_855 iter_args(%scan3A_1196 = %broadcast_in_dim3A_845, %scan3A_1197 = %broadcast_in_dim3A_847, %scan3A_1198 = %broadcast_in_dim3A_849, %scan3A_1199 = %broadcast_in_dim3A_851) -> (vector<16xf32>, vector<16xf32>, vector<16xf32>, vector<16xf32>)  : i32 {
        %get3A = arith.constant 9 : i32
        %get3A_1200 = arith.index_cast %get3A : i32 to index
        %get3A_1201 = arith.index_cast %scan3A_1195 : i32 to index
        %get3A_1202 = arith.constant 0 : index
        %get3A_1203 = tpu.vector_load %arg6[%get3A_1200, %get3A_1201, %get3A_1202] {strides = array<i32>} : memref<16x50x64xf32, #tpu.memory_space<vmem>>, vector<1x1x16xf32>,
        %get3A_1204 = vector.shape_cast %get3A_1203 : vector<1x1x16xf32> to vector<16xf32>
        %add3A_1205 = arith.addf %scan3A_1196, %get3A_1204 : vector<16xf32>
        %get3A_1206 = arith.constant 9 : i32
        %get3A_1207 = arith.index_cast %get3A_1206 : i32 to index
        %get3A_1208 = arith.index_cast %scan3A_1195 : i32 to index
        %get3A_1209 = arith.constant 16 : index
        %get3A_1210 = tpu.vector_load %arg6[%get3A_1207, %get3A_1208, %get3A_1209] {strides = array<i32>} : memref<16x50x64xf32, #tpu.memory_space<vmem>>, vector<1x1x16xf32>,
        %get3A_1211 = vector.shape_cast %get3A_1210 : vector<1x1x16xf32> to vector<16xf32>
        %add3A_1212 = arith.addf %scan3A_1197, %get3A_1211 : vector<16xf32>
        %get3A_1213 = arith.constant 9 : i32
        %get3A_1214 = arith.index_cast %get3A_1213 : i32 to index
        %get3A_1215 = arith.index_cast %scan3A_1195 : i32 to index
        %get3A_1216 = arith.constant 32 : index
        %get3A_1217 = tpu.vector_load %arg6[%get3A_1214, %get3A_1215, %get3A_1216] {strides = array<i32>} : memref<16x50x64xf32, #tpu.memory_space<vmem>>, vector<1x1x16xf32>,
        %get3A_1218 = vector.shape_cast %get3A_1217 : vector<1x1x16xf32> to vector<16xf32>
        %add3A_1219 = arith.addf %scan3A_1198, %get3A_1218 : vector<16xf32>
        %get3A_1220 = arith.constant 9 : i32
        %get3A_1221 = arith.index_cast %get3A_1220 : i32 to index
        %get3A_1222 = arith.index_cast %scan3A_1195 : i32 to index
        %get3A_1223 = arith.constant 48 : index
        %get3A_1224 = tpu.vector_load %arg6[%get3A_1221, %get3A_1222, %get3A_1223] {strides = array<i32>} : memref<16x50x64xf32, #tpu.memory_space<vmem>>, vector<1x1x16xf32>,
        %get3A_1225 = vector.shape_cast %get3A_1224 : vector<1x1x16xf32> to vector<16xf32>
        %add3A_1226 = arith.addf %scan3A_1199, %get3A_1225 : vector<16xf32>
        scf.yield %add3A_1205, %add3A_1212, %add3A_1219, %add3A_1226 : vector<16xf32>, vector<16xf32>, vector<16xf32>, vector<16xf32>
      }
      %scan3A_857 = arith.constant 50 : i32
      %mul3A_858 = arith.constant 2.000000e-02 : f32
      %mul3A_859 = vector.broadcast %mul3A_858 : f32 to vector<16xf32>
      %mul3A_860 = arith.mulf %scan3A_856#0, %mul3A_859 : vector<16xf32>
      %swap3A_861 = arith.constant 9 : i32
      %swap3A_862 = arith.index_cast %swap3A_861 : i32 to index
      %swap3A_863 = arith.constant 0 : index
      %swap3A_864 = tpu.vector_load %arg7[%swap3A_862, %swap3A_863] {strides = array<i32>} : memref<16x64xf32, #tpu.memory_space<vmem>>, vector<1x16xf32>,
      %swap3A_865 = vector.shape_cast %swap3A_864 : vector<1x16xf32> to vector<16xf32>
      %swap3A_866 = vector.shape_cast %mul3A_860 : vector<16xf32> to vector<1x16xf32>
      tpu.vector_store %arg7[%swap3A_862, %swap3A_863], %swap3A_866 {strides = array<i32>} : memref<16x64xf32, #tpu.memory_space<vmem>>, vector<1x16xf32>,
      %mul3A_867 = arith.constant 2.000000e-02 : f32
      %mul3A_868 = vector.broadcast %mul3A_867 : f32 to vector<16xf32>
      %mul3A_869 = arith.mulf %scan3A_856#1, %mul3A_868 : vector<16xf32>
      %swap3A_870 = arith.constant 9 : i32
      %swap3A_871 = arith.index_cast %swap3A_870 : i32 to index
      %swap3A_872 = arith.constant 16 : index
      %swap3A_873 = tpu.vector_load %arg7[%swap3A_871, %swap3A_872] {strides = array<i32>} : memref<16x64xf32, #tpu.memory_space<vmem>>, vector<1x16xf32>,
      %swap3A_874 = vector.shape_cast %swap3A_873 : vector<1x16xf32> to vector<16xf32>
      %swap3A_875 = vector.shape_cast %mul3A_869 : vector<16xf32> to vector<1x16xf32>
      tpu.vector_store %arg7[%swap3A_871, %swap3A_872], %swap3A_875 {strides = array<i32>} : memref<16x64xf32, #tpu.memory_space<vmem>>, vector<1x16xf32>,
      %mul3A_876 = arith.constant 2.000000e-02 : f32
      %mul3A_877 = vector.broadcast %mul3A_876 : f32 to vector<16xf32>
      %mul3A_878 = arith.mulf %scan3A_856#2, %mul3A_877 : vector<16xf32>
      %swap3A_879 = arith.constant 9 : i32
      %swap3A_880 = arith.index_cast %swap3A_879 : i32 to index
      %swap3A_881 = arith.constant 32 : index
      %swap3A_882 = tpu.vector_load %arg7[%swap3A_880, %swap3A_881] {strides = array<i32>} : memref<16x64xf32, #tpu.memory_space<vmem>>, vector<1x16xf32>,
      %swap3A_883 = vector.shape_cast %swap3A_882 : vector<1x16xf32> to vector<16xf32>
      %swap3A_884 = vector.shape_cast %mul3A_878 : vector<16xf32> to vector<1x16xf32>
      tpu.vector_store %arg7[%swap3A_880, %swap3A_881], %swap3A_884 {strides = array<i32>} : memref<16x64xf32, #tpu.memory_space<vmem>>, vector<1x16xf32>,
      %mul3A_885 = arith.constant 2.000000e-02 : f32
      %mul3A_886 = vector.broadcast %mul3A_885 : f32 to vector<16xf32>
      %mul3A_887 = arith.mulf %scan3A_856#3, %mul3A_886 : vector<16xf32>
      %swap3A_888 = arith.constant 9 : i32
      %swap3A_889 = arith.index_cast %swap3A_888 : i32 to index
      %swap3A_890 = arith.constant 48 : index
      %swap3A_891 = tpu.vector_load %arg7[%swap3A_889, %swap3A_890] {strides = array<i32>} : memref<16x64xf32, #tpu.memory_space<vmem>>, vector<1x16xf32>,
      %swap3A_892 = vector.shape_cast %swap3A_891 : vector<1x16xf32> to vector<16xf32>
      %swap3A_893 = vector.shape_cast %mul3A_887 : vector<16xf32> to vector<1x16xf32>
      tpu.vector_store %arg7[%swap3A_889, %swap3A_890], %swap3A_893 {strides = array<i32>} : memref<16x64xf32, #tpu.memory_space<vmem>>, vector<1x16xf32>,
      %broadcast_in_dim3A_894 = arith.constant 0.000000e+00 : f32
      %broadcast_in_dim3A_895 = vector.broadcast %broadcast_in_dim3A_894 : f32 to vector<16xf32>
      %broadcast_in_dim3A_896 = arith.constant 0.000000e+00 : f32
      %broadcast_in_dim3A_897 = vector.broadcast %broadcast_in_dim3A_896 : f32 to vector<16xf32>
      %broadcast_in_dim3A_898 = arith.constant 0.000000e+00 : f32
      %broadcast_in_dim3A_899 = vector.broadcast %broadcast_in_dim3A_898 : f32 to vector<16xf32>
      %broadcast_in_dim3A_900 = arith.constant 0.000000e+00 : f32
      %broadcast_in_dim3A_901 = vector.broadcast %broadcast_in_dim3A_900 : f32 to vector<16xf32>
      %scan3A_902 = arith.constant 0 : i32
      %scan3A_903 = arith.constant 50 : i32
      %scan3A_904 = arith.addi %scan3A_902, %scan3A_903 : i32
      %scan3A_905 = arith.constant 1 : i32
      %scan3A_906:4 = scf.for %scan3A_1195 = %scan3A_902 to %scan3A_904 step %scan3A_905 iter_args(%scan3A_1196 = %broadcast_in_dim3A_895, %scan3A_1197 = %broadcast_in_dim3A_897, %scan3A_1198 = %broadcast_in_dim3A_899, %scan3A_1199 = %broadcast_in_dim3A_901) -> (vector<16xf32>, vector<16xf32>, vector<16xf32>, vector<16xf32>)  : i32 {
        %get3A = arith.constant 10 : i32
        %get3A_1200 = arith.index_cast %get3A : i32 to index
        %get3A_1201 = arith.index_cast %scan3A_1195 : i32 to index
        %get3A_1202 = arith.constant 0 : index
        %get3A_1203 = tpu.vector_load %arg6[%get3A_1200, %get3A_1201, %get3A_1202] {strides = array<i32>} : memref<16x50x64xf32, #tpu.memory_space<vmem>>, vector<1x1x16xf32>,
        %get3A_1204 = vector.shape_cast %get3A_1203 : vector<1x1x16xf32> to vector<16xf32>
        %add3A_1205 = arith.addf %scan3A_1196, %get3A_1204 : vector<16xf32>
        %get3A_1206 = arith.constant 10 : i32
        %get3A_1207 = arith.index_cast %get3A_1206 : i32 to index
        %get3A_1208 = arith.index_cast %scan3A_1195 : i32 to index
        %get3A_1209 = arith.constant 16 : index
        %get3A_1210 = tpu.vector_load %arg6[%get3A_1207, %get3A_1208, %get3A_1209] {strides = array<i32>} : memref<16x50x64xf32, #tpu.memory_space<vmem>>, vector<1x1x16xf32>,
        %get3A_1211 = vector.shape_cast %get3A_1210 : vector<1x1x16xf32> to vector<16xf32>
        %add3A_1212 = arith.addf %scan3A_1197, %get3A_1211 : vector<16xf32>
        %get3A_1213 = arith.constant 10 : i32
        %get3A_1214 = arith.index_cast %get3A_1213 : i32 to index
        %get3A_1215 = arith.index_cast %scan3A_1195 : i32 to index
        %get3A_1216 = arith.constant 32 : index
        %get3A_1217 = tpu.vector_load %arg6[%get3A_1214, %get3A_1215, %get3A_1216] {strides = array<i32>} : memref<16x50x64xf32, #tpu.memory_space<vmem>>, vector<1x1x16xf32>,
        %get3A_1218 = vector.shape_cast %get3A_1217 : vector<1x1x16xf32> to vector<16xf32>
        %add3A_1219 = arith.addf %scan3A_1198, %get3A_1218 : vector<16xf32>
        %get3A_1220 = arith.constant 10 : i32
        %get3A_1221 = arith.index_cast %get3A_1220 : i32 to index
        %get3A_1222 = arith.index_cast %scan3A_1195 : i32 to index
        %get3A_1223 = arith.constant 48 : index
        %get3A_1224 = tpu.vector_load %arg6[%get3A_1221, %get3A_1222, %get3A_1223] {strides = array<i32>} : memref<16x50x64xf32, #tpu.memory_space<vmem>>, vector<1x1x16xf32>,
        %get3A_1225 = vector.shape_cast %get3A_1224 : vector<1x1x16xf32> to vector<16xf32>
        %add3A_1226 = arith.addf %scan3A_1199, %get3A_1225 : vector<16xf32>
        scf.yield %add3A_1205, %add3A_1212, %add3A_1219, %add3A_1226 : vector<16xf32>, vector<16xf32>, vector<16xf32>, vector<16xf32>
      }
      %scan3A_907 = arith.constant 50 : i32
      %mul3A_908 = arith.constant 2.000000e-02 : f32
      %mul3A_909 = vector.broadcast %mul3A_908 : f32 to vector<16xf32>
      %mul3A_910 = arith.mulf %scan3A_906#0, %mul3A_909 : vector<16xf32>
      %swap3A_911 = arith.constant 10 : i32
      %swap3A_912 = arith.index_cast %swap3A_911 : i32 to index
      %swap3A_913 = arith.constant 0 : index
      %swap3A_914 = tpu.vector_load %arg7[%swap3A_912, %swap3A_913] {strides = array<i32>} : memref<16x64xf32, #tpu.memory_space<vmem>>, vector<1x16xf32>,
      %swap3A_915 = vector.shape_cast %swap3A_914 : vector<1x16xf32> to vector<16xf32>
      %swap3A_916 = vector.shape_cast %mul3A_910 : vector<16xf32> to vector<1x16xf32>
      tpu.vector_store %arg7[%swap3A_912, %swap3A_913], %swap3A_916 {strides = array<i32>} : memref<16x64xf32, #tpu.memory_space<vmem>>, vector<1x16xf32>,
      %mul3A_917 = arith.constant 2.000000e-02 : f32
      %mul3A_918 = vector.broadcast %mul3A_917 : f32 to vector<16xf32>
      %mul3A_919 = arith.mulf %scan3A_906#1, %mul3A_918 : vector<16xf32>
      %swap3A_920 = arith.constant 10 : i32
      %swap3A_921 = arith.index_cast %swap3A_920 : i32 to index
      %swap3A_922 = arith.constant 16 : index
      %swap3A_923 = tpu.vector_load %arg7[%swap3A_921, %swap3A_922] {strides = array<i32>} : memref<16x64xf32, #tpu.memory_space<vmem>>, vector<1x16xf32>,
      %swap3A_924 = vector.shape_cast %swap3A_923 : vector<1x16xf32> to vector<16xf32>
      %swap3A_925 = vector.shape_cast %mul3A_919 : vector<16xf32> to vector<1x16xf32>
      tpu.vector_store %arg7[%swap3A_921, %swap3A_922], %swap3A_925 {strides = array<i32>} : memref<16x64xf32, #tpu.memory_space<vmem>>, vector<1x16xf32>,
      %mul3A_926 = arith.constant 2.000000e-02 : f32
      %mul3A_927 = vector.broadcast %mul3A_926 : f32 to vector<16xf32>
      %mul3A_928 = arith.mulf %scan3A_906#2, %mul3A_927 : vector<16xf32>
      %swap3A_929 = arith.constant 10 : i32
      %swap3A_930 = arith.index_cast %swap3A_929 : i32 to index
      %swap3A_931 = arith.constant 32 : index
      %swap3A_932 = tpu.vector_load %arg7[%swap3A_930, %swap3A_931] {strides = array<i32>} : memref<16x64xf32, #tpu.memory_space<vmem>>, vector<1x16xf32>,
      %swap3A_933 = vector.shape_cast %swap3A_932 : vector<1x16xf32> to vector<16xf32>
      %swap3A_934 = vector.shape_cast %mul3A_928 : vector<16xf32> to vector<1x16xf32>
      tpu.vector_store %arg7[%swap3A_930, %swap3A_931], %swap3A_934 {strides = array<i32>} : memref<16x64xf32, #tpu.memory_space<vmem>>, vector<1x16xf32>,
      %mul3A_935 = arith.constant 2.000000e-02 : f32
      %mul3A_936 = vector.broadcast %mul3A_935 : f32 to vector<16xf32>
      %mul3A_937 = arith.mulf %scan3A_906#3, %mul3A_936 : vector<16xf32>
      %swap3A_938 = arith.constant 10 : i32
      %swap3A_939 = arith.index_cast %swap3A_938 : i32 to index
      %swap3A_940 = arith.constant 48 : index
      %swap3A_941 = tpu.vector_load %arg7[%swap3A_939, %swap3A_940] {strides = array<i32>} : memref<16x64xf32, #tpu.memory_space<vmem>>, vector<1x16xf32>,
      %swap3A_942 = vector.shape_cast %swap3A_941 : vector<1x16xf32> to vector<16xf32>
      %swap3A_943 = vector.shape_cast %mul3A_937 : vector<16xf32> to vector<1x16xf32>
      tpu.vector_store %arg7[%swap3A_939, %swap3A_940], %swap3A_943 {strides = array<i32>} : memref<16x64xf32, #tpu.memory_space<vmem>>, vector<1x16xf32>,
      %broadcast_in_dim3A_944 = arith.constant 0.000000e+00 : f32
      %broadcast_in_dim3A_945 = vector.broadcast %broadcast_in_dim3A_944 : f32 to vector<16xf32>
      %broadcast_in_dim3A_946 = arith.constant 0.000000e+00 : f32
      %broadcast_in_dim3A_947 = vector.broadcast %broadcast_in_dim3A_946 : f32 to vector<16xf32>
      %broadcast_in_dim3A_948 = arith.constant 0.000000e+00 : f32
      %broadcast_in_dim3A_949 = vector.broadcast %broadcast_in_dim3A_948 : f32 to vector<16xf32>
      %broadcast_in_dim3A_950 = arith.constant 0.000000e+00 : f32
      %broadcast_in_dim3A_951 = vector.broadcast %broadcast_in_dim3A_950 : f32 to vector<16xf32>
      %scan3A_952 = arith.constant 0 : i32
      %scan3A_953 = arith.constant 50 : i32
      %scan3A_954 = arith.addi %scan3A_952, %scan3A_953 : i32
      %scan3A_955 = arith.constant 1 : i32
      %scan3A_956:4 = scf.for %scan3A_1195 = %scan3A_952 to %scan3A_954 step %scan3A_955 iter_args(%scan3A_1196 = %broadcast_in_dim3A_945, %scan3A_1197 = %broadcast_in_dim3A_947, %scan3A_1198 = %broadcast_in_dim3A_949, %scan3A_1199 = %broadcast_in_dim3A_951) -> (vector<16xf32>, vector<16xf32>, vector<16xf32>, vector<16xf32>)  : i32 {
        %get3A = arith.constant 11 : i32
        %get3A_1200 = arith.index_cast %get3A : i32 to index
        %get3A_1201 = arith.index_cast %scan3A_1195 : i32 to index
        %get3A_1202 = arith.constant 0 : index
        %get3A_1203 = tpu.vector_load %arg6[%get3A_1200, %get3A_1201, %get3A_1202] {strides = array<i32>} : memref<16x50x64xf32, #tpu.memory_space<vmem>>, vector<1x1x16xf32>,
        %get3A_1204 = vector.shape_cast %get3A_1203 : vector<1x1x16xf32> to vector<16xf32>
        %add3A_1205 = arith.addf %scan3A_1196, %get3A_1204 : vector<16xf32>
        %get3A_1206 = arith.constant 11 : i32
        %get3A_1207 = arith.index_cast %get3A_1206 : i32 to index
        %get3A_1208 = arith.index_cast %scan3A_1195 : i32 to index
        %get3A_1209 = arith.constant 16 : index
        %get3A_1210 = tpu.vector_load %arg6[%get3A_1207, %get3A_1208, %get3A_1209] {strides = array<i32>} : memref<16x50x64xf32, #tpu.memory_space<vmem>>, vector<1x1x16xf32>,
        %get3A_1211 = vector.shape_cast %get3A_1210 : vector<1x1x16xf32> to vector<16xf32>
        %add3A_1212 = arith.addf %scan3A_1197, %get3A_1211 : vector<16xf32>
        %get3A_1213 = arith.constant 11 : i32
        %get3A_1214 = arith.index_cast %get3A_1213 : i32 to index
        %get3A_1215 = arith.index_cast %scan3A_1195 : i32 to index
        %get3A_1216 = arith.constant 32 : index
        %get3A_1217 = tpu.vector_load %arg6[%get3A_1214, %get3A_1215, %get3A_1216] {strides = array<i32>} : memref<16x50x64xf32, #tpu.memory_space<vmem>>, vector<1x1x16xf32>,
        %get3A_1218 = vector.shape_cast %get3A_1217 : vector<1x1x16xf32> to vector<16xf32>
        %add3A_1219 = arith.addf %scan3A_1198, %get3A_1218 : vector<16xf32>
        %get3A_1220 = arith.constant 11 : i32
        %get3A_1221 = arith.index_cast %get3A_1220 : i32 to index
        %get3A_1222 = arith.index_cast %scan3A_1195 : i32 to index
        %get3A_1223 = arith.constant 48 : index
        %get3A_1224 = tpu.vector_load %arg6[%get3A_1221, %get3A_1222, %get3A_1223] {strides = array<i32>} : memref<16x50x64xf32, #tpu.memory_space<vmem>>, vector<1x1x16xf32>,
        %get3A_1225 = vector.shape_cast %get3A_1224 : vector<1x1x16xf32> to vector<16xf32>
        %add3A_1226 = arith.addf %scan3A_1199, %get3A_1225 : vector<16xf32>
        scf.yield %add3A_1205, %add3A_1212, %add3A_1219, %add3A_1226 : vector<16xf32>, vector<16xf32>, vector<16xf32>, vector<16xf32>
      }
      %scan3A_957 = arith.constant 50 : i32
      %mul3A_958 = arith.constant 2.000000e-02 : f32
      %mul3A_959 = vector.broadcast %mul3A_958 : f32 to vector<16xf32>
      %mul3A_960 = arith.mulf %scan3A_956#0, %mul3A_959 : vector<16xf32>
      %swap3A_961 = arith.constant 11 : i32
      %swap3A_962 = arith.index_cast %swap3A_961 : i32 to index
      %swap3A_963 = arith.constant 0 : index
      %swap3A_964 = tpu.vector_load %arg7[%swap3A_962, %swap3A_963] {strides = array<i32>} : memref<16x64xf32, #tpu.memory_space<vmem>>, vector<1x16xf32>,
      %swap3A_965 = vector.shape_cast %swap3A_964 : vector<1x16xf32> to vector<16xf32>
      %swap3A_966 = vector.shape_cast %mul3A_960 : vector<16xf32> to vector<1x16xf32>
      tpu.vector_store %arg7[%swap3A_962, %swap3A_963], %swap3A_966 {strides = array<i32>} : memref<16x64xf32, #tpu.memory_space<vmem>>, vector<1x16xf32>,
      %mul3A_967 = arith.constant 2.000000e-02 : f32
      %mul3A_968 = vector.broadcast %mul3A_967 : f32 to vector<16xf32>
      %mul3A_969 = arith.mulf %scan3A_956#1, %mul3A_968 : vector<16xf32>
      %swap3A_970 = arith.constant 11 : i32
      %swap3A_971 = arith.index_cast %swap3A_970 : i32 to index
      %swap3A_972 = arith.constant 16 : index
      %swap3A_973 = tpu.vector_load %arg7[%swap3A_971, %swap3A_972] {strides = array<i32>} : memref<16x64xf32, #tpu.memory_space<vmem>>, vector<1x16xf32>,
      %swap3A_974 = vector.shape_cast %swap3A_973 : vector<1x16xf32> to vector<16xf32>
      %swap3A_975 = vector.shape_cast %mul3A_969 : vector<16xf32> to vector<1x16xf32>
      tpu.vector_store %arg7[%swap3A_971, %swap3A_972], %swap3A_975 {strides = array<i32>} : memref<16x64xf32, #tpu.memory_space<vmem>>, vector<1x16xf32>,
      %mul3A_976 = arith.constant 2.000000e-02 : f32
      %mul3A_977 = vector.broadcast %mul3A_976 : f32 to vector<16xf32>
      %mul3A_978 = arith.mulf %scan3A_956#2, %mul3A_977 : vector<16xf32>
      %swap3A_979 = arith.constant 11 : i32
      %swap3A_980 = arith.index_cast %swap3A_979 : i32 to index
      %swap3A_981 = arith.constant 32 : index
      %swap3A_982 = tpu.vector_load %arg7[%swap3A_980, %swap3A_981] {strides = array<i32>} : memref<16x64xf32, #tpu.memory_space<vmem>>, vector<1x16xf32>,
      %swap3A_983 = vector.shape_cast %swap3A_982 : vector<1x16xf32> to vector<16xf32>
      %swap3A_984 = vector.shape_cast %mul3A_978 : vector<16xf32> to vector<1x16xf32>
      tpu.vector_store %arg7[%swap3A_980, %swap3A_981], %swap3A_984 {strides = array<i32>} : memref<16x64xf32, #tpu.memory_space<vmem>>, vector<1x16xf32>,
      %mul3A_985 = arith.constant 2.000000e-02 : f32
      %mul3A_986 = vector.broadcast %mul3A_985 : f32 to vector<16xf32>
      %mul3A_987 = arith.mulf %scan3A_956#3, %mul3A_986 : vector<16xf32>
      %swap3A_988 = arith.constant 11 : i32
      %swap3A_989 = arith.index_cast %swap3A_988 : i32 to index
      %swap3A_990 = arith.constant 48 : index
      %swap3A_991 = tpu.vector_load %arg7[%swap3A_989, %swap3A_990] {strides = array<i32>} : memref<16x64xf32, #tpu.memory_space<vmem>>, vector<1x16xf32>,
      %swap3A_992 = vector.shape_cast %swap3A_991 : vector<1x16xf32> to vector<16xf32>
      %swap3A_993 = vector.shape_cast %mul3A_987 : vector<16xf32> to vector<1x16xf32>
      tpu.vector_store %arg7[%swap3A_989, %swap3A_990], %swap3A_993 {strides = array<i32>} : memref<16x64xf32, #tpu.memory_space<vmem>>, vector<1x16xf32>,
      %broadcast_in_dim3A_994 = arith.constant 0.000000e+00 : f32
      %broadcast_in_dim3A_995 = vector.broadcast %broadcast_in_dim3A_994 : f32 to vector<16xf32>
      %broadcast_in_dim3A_996 = arith.constant 0.000000e+00 : f32
      %broadcast_in_dim3A_997 = vector.broadcast %broadcast_in_dim3A_996 : f32 to vector<16xf32>
      %broadcast_in_dim3A_998 = arith.constant 0.000000e+00 : f32
      %broadcast_in_dim3A_999 = vector.broadcast %broadcast_in_dim3A_998 : f32 to vector<16xf32>
      %broadcast_in_dim3A_1000 = arith.constant 0.000000e+00 : f32
      %broadcast_in_dim3A_1001 = vector.broadcast %broadcast_in_dim3A_1000 : f32 to vector<16xf32>
      %scan3A_1002 = arith.constant 0 : i32
      %scan3A_1003 = arith.constant 50 : i32
      %scan3A_1004 = arith.addi %scan3A_1002, %scan3A_1003 : i32
      %scan3A_1005 = arith.constant 1 : i32
      %scan3A_1006:4 = scf.for %scan3A_1195 = %scan3A_1002 to %scan3A_1004 step %scan3A_1005 iter_args(%scan3A_1196 = %broadcast_in_dim3A_995, %scan3A_1197 = %broadcast_in_dim3A_997, %scan3A_1198 = %broadcast_in_dim3A_999, %scan3A_1199 = %broadcast_in_dim3A_1001) -> (vector<16xf32>, vector<16xf32>, vector<16xf32>, vector<16xf32>)  : i32 {
        %get3A = arith.constant 12 : i32
        %get3A_1200 = arith.index_cast %get3A : i32 to index
        %get3A_1201 = arith.index_cast %scan3A_1195 : i32 to index
        %get3A_1202 = arith.constant 0 : index
        %get3A_1203 = tpu.vector_load %arg6[%get3A_1200, %get3A_1201, %get3A_1202] {strides = array<i32>} : memref<16x50x64xf32, #tpu.memory_space<vmem>>, vector<1x1x16xf32>,
        %get3A_1204 = vector.shape_cast %get3A_1203 : vector<1x1x16xf32> to vector<16xf32>
        %add3A_1205 = arith.addf %scan3A_1196, %get3A_1204 : vector<16xf32>
        %get3A_1206 = arith.constant 12 : i32
        %get3A_1207 = arith.index_cast %get3A_1206 : i32 to index
        %get3A_1208 = arith.index_cast %scan3A_1195 : i32 to index
        %get3A_1209 = arith.constant 16 : index
        %get3A_1210 = tpu.vector_load %arg6[%get3A_1207, %get3A_1208, %get3A_1209] {strides = array<i32>} : memref<16x50x64xf32, #tpu.memory_space<vmem>>, vector<1x1x16xf32>,
        %get3A_1211 = vector.shape_cast %get3A_1210 : vector<1x1x16xf32> to vector<16xf32>
        %add3A_1212 = arith.addf %scan3A_1197, %get3A_1211 : vector<16xf32>
        %get3A_1213 = arith.constant 12 : i32
        %get3A_1214 = arith.index_cast %get3A_1213 : i32 to index
        %get3A_1215 = arith.index_cast %scan3A_1195 : i32 to index
        %get3A_1216 = arith.constant 32 : index
        %get3A_1217 = tpu.vector_load %arg6[%get3A_1214, %get3A_1215, %get3A_1216] {strides = array<i32>} : memref<16x50x64xf32, #tpu.memory_space<vmem>>, vector<1x1x16xf32>,
        %get3A_1218 = vector.shape_cast %get3A_1217 : vector<1x1x16xf32> to vector<16xf32>
        %add3A_1219 = arith.addf %scan3A_1198, %get3A_1218 : vector<16xf32>
        %get3A_1220 = arith.constant 12 : i32
        %get3A_1221 = arith.index_cast %get3A_1220 : i32 to index
        %get3A_1222 = arith.index_cast %scan3A_1195 : i32 to index
        %get3A_1223 = arith.constant 48 : index
        %get3A_1224 = tpu.vector_load %arg6[%get3A_1221, %get3A_1222, %get3A_1223] {strides = array<i32>} : memref<16x50x64xf32, #tpu.memory_space<vmem>>, vector<1x1x16xf32>,
        %get3A_1225 = vector.shape_cast %get3A_1224 : vector<1x1x16xf32> to vector<16xf32>
        %add3A_1226 = arith.addf %scan3A_1199, %get3A_1225 : vector<16xf32>
        scf.yield %add3A_1205, %add3A_1212, %add3A_1219, %add3A_1226 : vector<16xf32>, vector<16xf32>, vector<16xf32>, vector<16xf32>
      }
      %scan3A_1007 = arith.constant 50 : i32
      %mul3A_1008 = arith.constant 2.000000e-02 : f32
      %mul3A_1009 = vector.broadcast %mul3A_1008 : f32 to vector<16xf32>
      %mul3A_1010 = arith.mulf %scan3A_1006#0, %mul3A_1009 : vector<16xf32>
      %swap3A_1011 = arith.constant 12 : i32
      %swap3A_1012 = arith.index_cast %swap3A_1011 : i32 to index
      %swap3A_1013 = arith.constant 0 : index
      %swap3A_1014 = tpu.vector_load %arg7[%swap3A_1012, %swap3A_1013] {strides = array<i32>} : memref<16x64xf32, #tpu.memory_space<vmem>>, vector<1x16xf32>,
      %swap3A_1015 = vector.shape_cast %swap3A_1014 : vector<1x16xf32> to vector<16xf32>
      %swap3A_1016 = vector.shape_cast %mul3A_1010 : vector<16xf32> to vector<1x16xf32>
      tpu.vector_store %arg7[%swap3A_1012, %swap3A_1013], %swap3A_1016 {strides = array<i32>} : memref<16x64xf32, #tpu.memory_space<vmem>>, vector<1x16xf32>,
      %mul3A_1017 = arith.constant 2.000000e-02 : f32
      %mul3A_1018 = vector.broadcast %mul3A_1017 : f32 to vector<16xf32>
      %mul3A_1019 = arith.mulf %scan3A_1006#1, %mul3A_1018 : vector<16xf32>
      %swap3A_1020 = arith.constant 12 : i32
      %swap3A_1021 = arith.index_cast %swap3A_1020 : i32 to index
      %swap3A_1022 = arith.constant 16 : index
      %swap3A_1023 = tpu.vector_load %arg7[%swap3A_1021, %swap3A_1022] {strides = array<i32>} : memref<16x64xf32, #tpu.memory_space<vmem>>, vector<1x16xf32>,
      %swap3A_1024 = vector.shape_cast %swap3A_1023 : vector<1x16xf32> to vector<16xf32>
      %swap3A_1025 = vector.shape_cast %mul3A_1019 : vector<16xf32> to vector<1x16xf32>
      tpu.vector_store %arg7[%swap3A_1021, %swap3A_1022], %swap3A_1025 {strides = array<i32>} : memref<16x64xf32, #tpu.memory_space<vmem>>, vector<1x16xf32>,
      %mul3A_1026 = arith.constant 2.000000e-02 : f32
      %mul3A_1027 = vector.broadcast %mul3A_1026 : f32 to vector<16xf32>
      %mul3A_1028 = arith.mulf %scan3A_1006#2, %mul3A_1027 : vector<16xf32>
      %swap3A_1029 = arith.constant 12 : i32
      %swap3A_1030 = arith.index_cast %swap3A_1029 : i32 to index
      %swap3A_1031 = arith.constant 32 : index
      %swap3A_1032 = tpu.vector_load %arg7[%swap3A_1030, %swap3A_1031] {strides = array<i32>} : memref<16x64xf32, #tpu.memory_space<vmem>>, vector<1x16xf32>,
      %swap3A_1033 = vector.shape_cast %swap3A_1032 : vector<1x16xf32> to vector<16xf32>
      %swap3A_1034 = vector.shape_cast %mul3A_1028 : vector<16xf32> to vector<1x16xf32>
      tpu.vector_store %arg7[%swap3A_1030, %swap3A_1031], %swap3A_1034 {strides = array<i32>} : memref<16x64xf32, #tpu.memory_space<vmem>>, vector<1x16xf32>,
      %mul3A_1035 = arith.constant 2.000000e-02 : f32
      %mul3A_1036 = vector.broadcast %mul3A_1035 : f32 to vector<16xf32>
      %mul3A_1037 = arith.mulf %scan3A_1006#3, %mul3A_1036 : vector<16xf32>
      %swap3A_1038 = arith.constant 12 : i32
      %swap3A_1039 = arith.index_cast %swap3A_1038 : i32 to index
      %swap3A_1040 = arith.constant 48 : index
      %swap3A_1041 = tpu.vector_load %arg7[%swap3A_1039, %swap3A_1040] {strides = array<i32>} : memref<16x64xf32, #tpu.memory_space<vmem>>, vector<1x16xf32>,
      %swap3A_1042 = vector.shape_cast %swap3A_1041 : vector<1x16xf32> to vector<16xf32>
      %swap3A_1043 = vector.shape_cast %mul3A_1037 : vector<16xf32> to vector<1x16xf32>
      tpu.vector_store %arg7[%swap3A_1039, %swap3A_1040], %swap3A_1043 {strides = array<i32>} : memref<16x64xf32, #tpu.memory_space<vmem>>, vector<1x16xf32>,
      %broadcast_in_dim3A_1044 = arith.constant 0.000000e+00 : f32
      %broadcast_in_dim3A_1045 = vector.broadcast %broadcast_in_dim3A_1044 : f32 to vector<16xf32>
      %broadcast_in_dim3A_1046 = arith.constant 0.000000e+00 : f32
      %broadcast_in_dim3A_1047 = vector.broadcast %broadcast_in_dim3A_1046 : f32 to vector<16xf32>
      %broadcast_in_dim3A_1048 = arith.constant 0.000000e+00 : f32
      %broadcast_in_dim3A_1049 = vector.broadcast %broadcast_in_dim3A_1048 : f32 to vector<16xf32>
      %broadcast_in_dim3A_1050 = arith.constant 0.000000e+00 : f32
      %broadcast_in_dim3A_1051 = vector.broadcast %broadcast_in_dim3A_1050 : f32 to vector<16xf32>
      %scan3A_1052 = arith.constant 0 : i32
      %scan3A_1053 = arith.constant 50 : i32
      %scan3A_1054 = arith.addi %scan3A_1052, %scan3A_1053 : i32
      %scan3A_1055 = arith.constant 1 : i32
      %scan3A_1056:4 = scf.for %scan3A_1195 = %scan3A_1052 to %scan3A_1054 step %scan3A_1055 iter_args(%scan3A_1196 = %broadcast_in_dim3A_1045, %scan3A_1197 = %broadcast_in_dim3A_1047, %scan3A_1198 = %broadcast_in_dim3A_1049, %scan3A_1199 = %broadcast_in_dim3A_1051) -> (vector<16xf32>, vector<16xf32>, vector<16xf32>, vector<16xf32>)  : i32 {
        %get3A = arith.constant 13 : i32
        %get3A_1200 = arith.index_cast %get3A : i32 to index
        %get3A_1201 = arith.index_cast %scan3A_1195 : i32 to index
        %get3A_1202 = arith.constant 0 : index
        %get3A_1203 = tpu.vector_load %arg6[%get3A_1200, %get3A_1201, %get3A_1202] {strides = array<i32>} : memref<16x50x64xf32, #tpu.memory_space<vmem>>, vector<1x1x16xf32>,
        %get3A_1204 = vector.shape_cast %get3A_1203 : vector<1x1x16xf32> to vector<16xf32>
        %add3A_1205 = arith.addf %scan3A_1196, %get3A_1204 : vector<16xf32>
        %get3A_1206 = arith.constant 13 : i32
        %get3A_1207 = arith.index_cast %get3A_1206 : i32 to index
        %get3A_1208 = arith.index_cast %scan3A_1195 : i32 to index
        %get3A_1209 = arith.constant 16 : index
        %get3A_1210 = tpu.vector_load %arg6[%get3A_1207, %get3A_1208, %get3A_1209] {strides = array<i32>} : memref<16x50x64xf32, #tpu.memory_space<vmem>>, vector<1x1x16xf32>,
        %get3A_1211 = vector.shape_cast %get3A_1210 : vector<1x1x16xf32> to vector<16xf32>
        %add3A_1212 = arith.addf %scan3A_1197, %get3A_1211 : vector<16xf32>
        %get3A_1213 = arith.constant 13 : i32
        %get3A_1214 = arith.index_cast %get3A_1213 : i32 to index
        %get3A_1215 = arith.index_cast %scan3A_1195 : i32 to index
        %get3A_1216 = arith.constant 32 : index
        %get3A_1217 = tpu.vector_load %arg6[%get3A_1214, %get3A_1215, %get3A_1216] {strides = array<i32>} : memref<16x50x64xf32, #tpu.memory_space<vmem>>, vector<1x1x16xf32>,
        %get3A_1218 = vector.shape_cast %get3A_1217 : vector<1x1x16xf32> to vector<16xf32>
        %add3A_1219 = arith.addf %scan3A_1198, %get3A_1218 : vector<16xf32>
        %get3A_1220 = arith.constant 13 : i32
        %get3A_1221 = arith.index_cast %get3A_1220 : i32 to index
        %get3A_1222 = arith.index_cast %scan3A_1195 : i32 to index
        %get3A_1223 = arith.constant 48 : index
        %get3A_1224 = tpu.vector_load %arg6[%get3A_1221, %get3A_1222, %get3A_1223] {strides = array<i32>} : memref<16x50x64xf32, #tpu.memory_space<vmem>>, vector<1x1x16xf32>,
        %get3A_1225 = vector.shape_cast %get3A_1224 : vector<1x1x16xf32> to vector<16xf32>
        %add3A_1226 = arith.addf %scan3A_1199, %get3A_1225 : vector<16xf32>
        scf.yield %add3A_1205, %add3A_1212, %add3A_1219, %add3A_1226 : vector<16xf32>, vector<16xf32>, vector<16xf32>, vector<16xf32>
      }
      %scan3A_1057 = arith.constant 50 : i32
      %mul3A_1058 = arith.constant 2.000000e-02 : f32
      %mul3A_1059 = vector.broadcast %mul3A_1058 : f32 to vector<16xf32>
      %mul3A_1060 = arith.mulf %scan3A_1056#0, %mul3A_1059 : vector<16xf32>
      %swap3A_1061 = arith.constant 13 : i32
      %swap3A_1062 = arith.index_cast %swap3A_1061 : i32 to index
      %swap3A_1063 = arith.constant 0 : index
      %swap3A_1064 = tpu.vector_load %arg7[%swap3A_1062, %swap3A_1063] {strides = array<i32>} : memref<16x64xf32, #tpu.memory_space<vmem>>, vector<1x16xf32>,
      %swap3A_1065 = vector.shape_cast %swap3A_1064 : vector<1x16xf32> to vector<16xf32>
      %swap3A_1066 = vector.shape_cast %mul3A_1060 : vector<16xf32> to vector<1x16xf32>
      tpu.vector_store %arg7[%swap3A_1062, %swap3A_1063], %swap3A_1066 {strides = array<i32>} : memref<16x64xf32, #tpu.memory_space<vmem>>, vector<1x16xf32>,
      %mul3A_1067 = arith.constant 2.000000e-02 : f32
      %mul3A_1068 = vector.broadcast %mul3A_1067 : f32 to vector<16xf32>
      %mul3A_1069 = arith.mulf %scan3A_1056#1, %mul3A_1068 : vector<16xf32>
      %swap3A_1070 = arith.constant 13 : i32
      %swap3A_1071 = arith.index_cast %swap3A_1070 : i32 to index
      %swap3A_1072 = arith.constant 16 : index
      %swap3A_1073 = tpu.vector_load %arg7[%swap3A_1071, %swap3A_1072] {strides = array<i32>} : memref<16x64xf32, #tpu.memory_space<vmem>>, vector<1x16xf32>,
      %swap3A_1074 = vector.shape_cast %swap3A_1073 : vector<1x16xf32> to vector<16xf32>
      %swap3A_1075 = vector.shape_cast %mul3A_1069 : vector<16xf32> to vector<1x16xf32>
      tpu.vector_store %arg7[%swap3A_1071, %swap3A_1072], %swap3A_1075 {strides = array<i32>} : memref<16x64xf32, #tpu.memory_space<vmem>>, vector<1x16xf32>,
      %mul3A_1076 = arith.constant 2.000000e-02 : f32
      %mul3A_1077 = vector.broadcast %mul3A_1076 : f32 to vector<16xf32>
      %mul3A_1078 = arith.mulf %scan3A_1056#2, %mul3A_1077 : vector<16xf32>
      %swap3A_1079 = arith.constant 13 : i32
      %swap3A_1080 = arith.index_cast %swap3A_1079 : i32 to index
      %swap3A_1081 = arith.constant 32 : index
      %swap3A_1082 = tpu.vector_load %arg7[%swap3A_1080, %swap3A_1081] {strides = array<i32>} : memref<16x64xf32, #tpu.memory_space<vmem>>, vector<1x16xf32>,
      %swap3A_1083 = vector.shape_cast %swap3A_1082 : vector<1x16xf32> to vector<16xf32>
      %swap3A_1084 = vector.shape_cast %mul3A_1078 : vector<16xf32> to vector<1x16xf32>
      tpu.vector_store %arg7[%swap3A_1080, %swap3A_1081], %swap3A_1084 {strides = array<i32>} : memref<16x64xf32, #tpu.memory_space<vmem>>, vector<1x16xf32>,
      %mul3A_1085 = arith.constant 2.000000e-02 : f32
      %mul3A_1086 = vector.broadcast %mul3A_1085 : f32 to vector<16xf32>
      %mul3A_1087 = arith.mulf %scan3A_1056#3, %mul3A_1086 : vector<16xf32>
      %swap3A_1088 = arith.constant 13 : i32
      %swap3A_1089 = arith.index_cast %swap3A_1088 : i32 to index
      %swap3A_1090 = arith.constant 48 : index
      %swap3A_1091 = tpu.vector_load %arg7[%swap3A_1089, %swap3A_1090] {strides = array<i32>} : memref<16x64xf32, #tpu.memory_space<vmem>>, vector<1x16xf32>,
      %swap3A_1092 = vector.shape_cast %swap3A_1091 : vector<1x16xf32> to vector<16xf32>
      %swap3A_1093 = vector.shape_cast %mul3A_1087 : vector<16xf32> to vector<1x16xf32>
      tpu.vector_store %arg7[%swap3A_1089, %swap3A_1090], %swap3A_1093 {strides = array<i32>} : memref<16x64xf32, #tpu.memory_space<vmem>>, vector<1x16xf32>,
      %broadcast_in_dim3A_1094 = arith.constant 0.000000e+00 : f32
      %broadcast_in_dim3A_1095 = vector.broadcast %broadcast_in_dim3A_1094 : f32 to vector<16xf32>
      %broadcast_in_dim3A_1096 = arith.constant 0.000000e+00 : f32
      %broadcast_in_dim3A_1097 = vector.broadcast %broadcast_in_dim3A_1096 : f32 to vector<16xf32>
      %broadcast_in_dim3A_1098 = arith.constant 0.000000e+00 : f32
      %broadcast_in_dim3A_1099 = vector.broadcast %broadcast_in_dim3A_1098 : f32 to vector<16xf32>
      %broadcast_in_dim3A_1100 = arith.constant 0.000000e+00 : f32
      %broadcast_in_dim3A_1101 = vector.broadcast %broadcast_in_dim3A_1100 : f32 to vector<16xf32>
      %scan3A_1102 = arith.constant 0 : i32
      %scan3A_1103 = arith.constant 50 : i32
      %scan3A_1104 = arith.addi %scan3A_1102, %scan3A_1103 : i32
      %scan3A_1105 = arith.constant 1 : i32
      %scan3A_1106:4 = scf.for %scan3A_1195 = %scan3A_1102 to %scan3A_1104 step %scan3A_1105 iter_args(%scan3A_1196 = %broadcast_in_dim3A_1095, %scan3A_1197 = %broadcast_in_dim3A_1097, %scan3A_1198 = %broadcast_in_dim3A_1099, %scan3A_1199 = %broadcast_in_dim3A_1101) -> (vector<16xf32>, vector<16xf32>, vector<16xf32>, vector<16xf32>)  : i32 {
        %get3A = arith.constant 14 : i32
        %get3A_1200 = arith.index_cast %get3A : i32 to index
        %get3A_1201 = arith.index_cast %scan3A_1195 : i32 to index
        %get3A_1202 = arith.constant 0 : index
        %get3A_1203 = tpu.vector_load %arg6[%get3A_1200, %get3A_1201, %get3A_1202] {strides = array<i32>} : memref<16x50x64xf32, #tpu.memory_space<vmem>>, vector<1x1x16xf32>,
        %get3A_1204 = vector.shape_cast %get3A_1203 : vector<1x1x16xf32> to vector<16xf32>
        %add3A_1205 = arith.addf %scan3A_1196, %get3A_1204 : vector<16xf32>
        %get3A_1206 = arith.constant 14 : i32
        %get3A_1207 = arith.index_cast %get3A_1206 : i32 to index
        %get3A_1208 = arith.index_cast %scan3A_1195 : i32 to index
        %get3A_1209 = arith.constant 16 : index
        %get3A_1210 = tpu.vector_load %arg6[%get3A_1207, %get3A_1208, %get3A_1209] {strides = array<i32>} : memref<16x50x64xf32, #tpu.memory_space<vmem>>, vector<1x1x16xf32>,
        %get3A_1211 = vector.shape_cast %get3A_1210 : vector<1x1x16xf32> to vector<16xf32>
        %add3A_1212 = arith.addf %scan3A_1197, %get3A_1211 : vector<16xf32>
        %get3A_1213 = arith.constant 14 : i32
        %get3A_1214 = arith.index_cast %get3A_1213 : i32 to index
        %get3A_1215 = arith.index_cast %scan3A_1195 : i32 to index
        %get3A_1216 = arith.constant 32 : index
        %get3A_1217 = tpu.vector_load %arg6[%get3A_1214, %get3A_1215, %get3A_1216] {strides = array<i32>} : memref<16x50x64xf32, #tpu.memory_space<vmem>>, vector<1x1x16xf32>,
        %get3A_1218 = vector.shape_cast %get3A_1217 : vector<1x1x16xf32> to vector<16xf32>
        %add3A_1219 = arith.addf %scan3A_1198, %get3A_1218 : vector<16xf32>
        %get3A_1220 = arith.constant 14 : i32
        %get3A_1221 = arith.index_cast %get3A_1220 : i32 to index
        %get3A_1222 = arith.index_cast %scan3A_1195 : i32 to index
        %get3A_1223 = arith.constant 48 : index
        %get3A_1224 = tpu.vector_load %arg6[%get3A_1221, %get3A_1222, %get3A_1223] {strides = array<i32>} : memref<16x50x64xf32, #tpu.memory_space<vmem>>, vector<1x1x16xf32>,
        %get3A_1225 = vector.shape_cast %get3A_1224 : vector<1x1x16xf32> to vector<16xf32>
        %add3A_1226 = arith.addf %scan3A_1199, %get3A_1225 : vector<16xf32>
        scf.yield %add3A_1205, %add3A_1212, %add3A_1219, %add3A_1226 : vector<16xf32>, vector<16xf32>, vector<16xf32>, vector<16xf32>
      }
      %scan3A_1107 = arith.constant 50 : i32
      %mul3A_1108 = arith.constant 2.000000e-02 : f32
      %mul3A_1109 = vector.broadcast %mul3A_1108 : f32 to vector<16xf32>
      %mul3A_1110 = arith.mulf %scan3A_1106#0, %mul3A_1109 : vector<16xf32>
      %swap3A_1111 = arith.constant 14 : i32
      %swap3A_1112 = arith.index_cast %swap3A_1111 : i32 to index
      %swap3A_1113 = arith.constant 0 : index
      %swap3A_1114 = tpu.vector_load %arg7[%swap3A_1112, %swap3A_1113] {strides = array<i32>} : memref<16x64xf32, #tpu.memory_space<vmem>>, vector<1x16xf32>,
      %swap3A_1115 = vector.shape_cast %swap3A_1114 : vector<1x16xf32> to vector<16xf32>
      %swap3A_1116 = vector.shape_cast %mul3A_1110 : vector<16xf32> to vector<1x16xf32>
      tpu.vector_store %arg7[%swap3A_1112, %swap3A_1113], %swap3A_1116 {strides = array<i32>} : memref<16x64xf32, #tpu.memory_space<vmem>>, vector<1x16xf32>,
      %mul3A_1117 = arith.constant 2.000000e-02 : f32
      %mul3A_1118 = vector.broadcast %mul3A_1117 : f32 to vector<16xf32>
      %mul3A_1119 = arith.mulf %scan3A_1106#1, %mul3A_1118 : vector<16xf32>
      %swap3A_1120 = arith.constant 14 : i32
      %swap3A_1121 = arith.index_cast %swap3A_1120 : i32 to index
      %swap3A_1122 = arith.constant 16 : index
      %swap3A_1123 = tpu.vector_load %arg7[%swap3A_1121, %swap3A_1122] {strides = array<i32>} : memref<16x64xf32, #tpu.memory_space<vmem>>, vector<1x16xf32>,
      %swap3A_1124 = vector.shape_cast %swap3A_1123 : vector<1x16xf32> to vector<16xf32>
      %swap3A_1125 = vector.shape_cast %mul3A_1119 : vector<16xf32> to vector<1x16xf32>
      tpu.vector_store %arg7[%swap3A_1121, %swap3A_1122], %swap3A_1125 {strides = array<i32>} : memref<16x64xf32, #tpu.memory_space<vmem>>, vector<1x16xf32>,
      %mul3A_1126 = arith.constant 2.000000e-02 : f32
      %mul3A_1127 = vector.broadcast %mul3A_1126 : f32 to vector<16xf32>
      %mul3A_1128 = arith.mulf %scan3A_1106#2, %mul3A_1127 : vector<16xf32>
      %swap3A_1129 = arith.constant 14 : i32
      %swap3A_1130 = arith.index_cast %swap3A_1129 : i32 to index
      %swap3A_1131 = arith.constant 32 : index
      %swap3A_1132 = tpu.vector_load %arg7[%swap3A_1130, %swap3A_1131] {strides = array<i32>} : memref<16x64xf32, #tpu.memory_space<vmem>>, vector<1x16xf32>,
      %swap3A_1133 = vector.shape_cast %swap3A_1132 : vector<1x16xf32> to vector<16xf32>
      %swap3A_1134 = vector.shape_cast %mul3A_1128 : vector<16xf32> to vector<1x16xf32>
      tpu.vector_store %arg7[%swap3A_1130, %swap3A_1131], %swap3A_1134 {strides = array<i32>} : memref<16x64xf32, #tpu.memory_space<vmem>>, vector<1x16xf32>,
      %mul3A_1135 = arith.constant 2.000000e-02 : f32
      %mul3A_1136 = vector.broadcast %mul3A_1135 : f32 to vector<16xf32>
      %mul3A_1137 = arith.mulf %scan3A_1106#3, %mul3A_1136 : vector<16xf32>
      %swap3A_1138 = arith.constant 14 : i32
      %swap3A_1139 = arith.index_cast %swap3A_1138 : i32 to index
      %swap3A_1140 = arith.constant 48 : index
      %swap3A_1141 = tpu.vector_load %arg7[%swap3A_1139, %swap3A_1140] {strides = array<i32>} : memref<16x64xf32, #tpu.memory_space<vmem>>, vector<1x16xf32>,
      %swap3A_1142 = vector.shape_cast %swap3A_1141 : vector<1x16xf32> to vector<16xf32>
      %swap3A_1143 = vector.shape_cast %mul3A_1137 : vector<16xf32> to vector<1x16xf32>
      tpu.vector_store %arg7[%swap3A_1139, %swap3A_1140], %swap3A_1143 {strides = array<i32>} : memref<16x64xf32, #tpu.memory_space<vmem>>, vector<1x16xf32>,
      %broadcast_in_dim3A_1144 = arith.constant 0.000000e+00 : f32
      %broadcast_in_dim3A_1145 = vector.broadcast %broadcast_in_dim3A_1144 : f32 to vector<16xf32>
      %broadcast_in_dim3A_1146 = arith.constant 0.000000e+00 : f32
      %broadcast_in_dim3A_1147 = vector.broadcast %broadcast_in_dim3A_1146 : f32 to vector<16xf32>
      %broadcast_in_dim3A_1148 = arith.constant 0.000000e+00 : f32
      %broadcast_in_dim3A_1149 = vector.broadcast %broadcast_in_dim3A_1148 : f32 to vector<16xf32>
      %broadcast_in_dim3A_1150 = arith.constant 0.000000e+00 : f32
      %broadcast_in_dim3A_1151 = vector.broadcast %broadcast_in_dim3A_1150 : f32 to vector<16xf32>
      %scan3A_1152 = arith.constant 0 : i32
      %scan3A_1153 = arith.constant 50 : i32
      %scan3A_1154 = arith.addi %scan3A_1152, %scan3A_1153 : i32
      %scan3A_1155 = arith.constant 1 : i32
      %scan3A_1156:4 = scf.for %scan3A_1195 = %scan3A_1152 to %scan3A_1154 step %scan3A_1155 iter_args(%scan3A_1196 = %broadcast_in_dim3A_1145, %scan3A_1197 = %broadcast_in_dim3A_1147, %scan3A_1198 = %broadcast_in_dim3A_1149, %scan3A_1199 = %broadcast_in_dim3A_1151) -> (vector<16xf32>, vector<16xf32>, vector<16xf32>, vector<16xf32>)  : i32 {
        %get3A = arith.constant 15 : i32
        %get3A_1200 = arith.index_cast %get3A : i32 to index
        %get3A_1201 = arith.index_cast %scan3A_1195 : i32 to index
        %get3A_1202 = arith.constant 0 : index
        %get3A_1203 = tpu.vector_load %arg6[%get3A_1200, %get3A_1201, %get3A_1202] {strides = array<i32>} : memref<16x50x64xf32, #tpu.memory_space<vmem>>, vector<1x1x16xf32>,
        %get3A_1204 = vector.shape_cast %get3A_1203 : vector<1x1x16xf32> to vector<16xf32>
        %add3A_1205 = arith.addf %scan3A_1196, %get3A_1204 : vector<16xf32>
        %get3A_1206 = arith.constant 15 : i32
        %get3A_1207 = arith.index_cast %get3A_1206 : i32 to index
        %get3A_1208 = arith.index_cast %scan3A_1195 : i32 to index
        %get3A_1209 = arith.constant 16 : index
        %get3A_1210 = tpu.vector_load %arg6[%get3A_1207, %get3A_1208, %get3A_1209] {strides = array<i32>} : memref<16x50x64xf32, #tpu.memory_space<vmem>>, vector<1x1x16xf32>,
        %get3A_1211 = vector.shape_cast %get3A_1210 : vector<1x1x16xf32> to vector<16xf32>
        %add3A_1212 = arith.addf %scan3A_1197, %get3A_1211 : vector<16xf32>
        %get3A_1213 = arith.constant 15 : i32
        %get3A_1214 = arith.index_cast %get3A_1213 : i32 to index
        %get3A_1215 = arith.index_cast %scan3A_1195 : i32 to index
        %get3A_1216 = arith.constant 32 : index
        %get3A_1217 = tpu.vector_load %arg6[%get3A_1214, %get3A_1215, %get3A_1216] {strides = array<i32>} : memref<16x50x64xf32, #tpu.memory_space<vmem>>, vector<1x1x16xf32>,
        %get3A_1218 = vector.shape_cast %get3A_1217 : vector<1x1x16xf32> to vector<16xf32>
        %add3A_1219 = arith.addf %scan3A_1198, %get3A_1218 : vector<16xf32>
        %get3A_1220 = arith.constant 15 : i32
        %get3A_1221 = arith.index_cast %get3A_1220 : i32 to index
        %get3A_1222 = arith.index_cast %scan3A_1195 : i32 to index
        %get3A_1223 = arith.constant 48 : index
        %get3A_1224 = tpu.vector_load %arg6[%get3A_1221, %get3A_1222, %get3A_1223] {strides = array<i32>} : memref<16x50x64xf32, #tpu.memory_space<vmem>>, vector<1x1x16xf32>,
        %get3A_1225 = vector.shape_cast %get3A_1224 : vector<1x1x16xf32> to vector<16xf32>
        %add3A_1226 = arith.addf %scan3A_1199, %get3A_1225 : vector<16xf32>
        scf.yield %add3A_1205, %add3A_1212, %add3A_1219, %add3A_1226 : vector<16xf32>, vector<16xf32>, vector<16xf32>, vector<16xf32>
      }
      %scan3A_1157 = arith.constant 50 : i32
      %mul3A_1158 = arith.constant 2.000000e-02 : f32
      %mul3A_1159 = vector.broadcast %mul3A_1158 : f32 to vector<16xf32>
      %mul3A_1160 = arith.mulf %scan3A_1156#0, %mul3A_1159 : vector<16xf32>
      %swap3A_1161 = arith.constant 15 : i32
      %swap3A_1162 = arith.index_cast %swap3A_1161 : i32 to index
      %swap3A_1163 = arith.constant 0 : index
      %swap3A_1164 = tpu.vector_load %arg7[%swap3A_1162, %swap3A_1163] {strides = array<i32>} : memref<16x64xf32, #tpu.memory_space<vmem>>, vector<1x16xf32>,
      %swap3A_1165 = vector.shape_cast %swap3A_1164 : vector<1x16xf32> to vector<16xf32>
      %swap3A_1166 = vector.shape_cast %mul3A_1160 : vector<16xf32> to vector<1x16xf32>
      tpu.vector_store %arg7[%swap3A_1162, %swap3A_1163], %swap3A_1166 {strides = array<i32>} : memref<16x64xf32, #tpu.memory_space<vmem>>, vector<1x16xf32>,
      %mul3A_1167 = arith.constant 2.000000e-02 : f32
      %mul3A_1168 = vector.broadcast %mul3A_1167 : f32 to vector<16xf32>
      %mul3A_1169 = arith.mulf %scan3A_1156#1, %mul3A_1168 : vector<16xf32>
      %swap3A_1170 = arith.constant 15 : i32
      %swap3A_1171 = arith.index_cast %swap3A_1170 : i32 to index
      %swap3A_1172 = arith.constant 16 : index
      %swap3A_1173 = tpu.vector_load %arg7[%swap3A_1171, %swap3A_1172] {strides = array<i32>} : memref<16x64xf32, #tpu.memory_space<vmem>>, vector<1x16xf32>,
      %swap3A_1174 = vector.shape_cast %swap3A_1173 : vector<1x16xf32> to vector<16xf32>
      %swap3A_1175 = vector.shape_cast %mul3A_1169 : vector<16xf32> to vector<1x16xf32>
      tpu.vector_store %arg7[%swap3A_1171, %swap3A_1172], %swap3A_1175 {strides = array<i32>} : memref<16x64xf32, #tpu.memory_space<vmem>>, vector<1x16xf32>,
      %mul3A_1176 = arith.constant 2.000000e-02 : f32
      %mul3A_1177 = vector.broadcast %mul3A_1176 : f32 to vector<16xf32>
      %mul3A_1178 = arith.mulf %scan3A_1156#2, %mul3A_1177 : vector<16xf32>
      %swap3A_1179 = arith.constant 15 : i32
      %swap3A_1180 = arith.index_cast %swap3A_1179 : i32 to index
      %swap3A_1181 = arith.constant 32 : index
      %swap3A_1182 = tpu.vector_load %arg7[%swap3A_1180, %swap3A_1181] {strides = array<i32>} : memref<16x64xf32, #tpu.memory_space<vmem>>, vector<1x16xf32>,
      %swap3A_1183 = vector.shape_cast %swap3A_1182 : vector<1x16xf32> to vector<16xf32>
      %swap3A_1184 = vector.shape_cast %mul3A_1178 : vector<16xf32> to vector<1x16xf32>
      tpu.vector_store %arg7[%swap3A_1180, %swap3A_1181], %swap3A_1184 {strides = array<i32>} : memref<16x64xf32, #tpu.memory_space<vmem>>, vector<1x16xf32>,
      %mul3A_1185 = arith.constant 2.000000e-02 : f32
      %mul3A_1186 = vector.broadcast %mul3A_1185 : f32 to vector<16xf32>
      %mul3A_1187 = arith.mulf %scan3A_1156#3, %mul3A_1186 : vector<16xf32>
      %swap3A_1188 = arith.constant 15 : i32
      %swap3A_1189 = arith.index_cast %swap3A_1188 : i32 to index
      %swap3A_1190 = arith.constant 48 : index
      %swap3A_1191 = tpu.vector_load %arg7[%swap3A_1189, %swap3A_1190] {strides = array<i32>} : memref<16x64xf32, #tpu.memory_space<vmem>>, vector<1x16xf32>,
      %swap3A_1192 = vector.shape_cast %swap3A_1191 : vector<1x16xf32> to vector<16xf32>
      %swap3A_1193 = vector.shape_cast %mul3A_1187 : vector<16xf32> to vector<1x16xf32>
      tpu.vector_store %arg7[%swap3A_1189, %swap3A_1190], %swap3A_1193 {strides = array<i32>} : memref<16x64xf32, #tpu.memory_space<vmem>>, vector<1x16xf32>,
      "tpu.region"() ({
        %run_scoped3A = tpu.sem_alloc : memref<!tpu.dma_semaphore, #tpu.memory_space<semaphore_mem>>
        %dma_start3A_1195 = arith.constant 0 : i32
        %dma_start3A_1196 = tpu.memref_slice %arg4[%add3A_13, %dma_start3A_1195] : memref<16384x64xf32, #tpu.memory_space<hbm>> -> memref<16x64xf32, #tpu.memory_space<hbm>>
        %dma_start3A_1197 = arith.constant 0 : i32
        %dma_start3A_1198 = tpu.memref_slice %arg4[%add3A_13, %dma_start3A_1197] : memref<16384x64xf32, #tpu.memory_space<hbm>> -> memref<16x64xf32, #tpu.memory_space<hbm>>
        tpu.enqueue_dma source(%arg7 : memref<16x64xf32, #tpu.memory_space<vmem>>) target(%dma_start3A_1198 : memref<16x64xf32, #tpu.memory_space<hbm>>) target_semaphore(%run_scoped3A : memref<!tpu.dma_semaphore, #tpu.memory_space<semaphore_mem>>)
        %dma_wait3A_1199 = arith.constant 0 : i32
        %dma_wait3A_1200 = tpu.memref_slice %arg4[%add3A_13, %dma_wait3A_1199] : memref<16384x64xf32, #tpu.memory_space<hbm>> -> memref<16x64xf32, #tpu.memory_space<hbm>>
        %dma_wait3A_1201 = arith.constant 0 : i32
        %dma_wait3A_1202 = tpu.memref_slice %arg4[%add3A_13, %dma_wait3A_1201] : memref<16384x64xf32, #tpu.memory_space<hbm>> -> memref<16x64xf32, #tpu.memory_space<hbm>>
        tpu.wait_dma2 semaphore(%run_scoped3A : memref<!tpu.dma_semaphore, #tpu.memory_space<semaphore_mem>>) src(%arg7 : memref<16x64xf32, #tpu.memory_space<vmem>>) dst(%dma_wait3A_1202 : memref<16x64xf32, #tpu.memory_space<hbm>>)
        tpu.yield
      }) : () -> ()
      %scan3A_1194 = arith.constant 0 : i32
      scf.yield %scan3A_1194 : i32
    }
    %scan3A_8 = arith.constant 32 : i32
    return
  }
}

</mosaic_0001>

<sc_bundles>
// kernel: kernel.3.cloned.1.call-start
scs
__scs_entry_jumppad:
0x0: {  	(pc) =	sbr.rel $0x88, $3  }
0x1: {  	(tag) =	ssettag $0x0;
	lr =	simm.s32 $0x1  }
0x2: {  	[smem:$0x3F9F] =	sst lr;
	_ =	strace $0xD0000000  }
0x3: {  	_ = 	snop  }
0x4: {  	_ = 	snop  }
0x5: {  	_ = 	snop  }
0x6: {  	_ = 	snop  }
0x7: {  	_ = 	snop  }
__scs_overlays_trampoline_lowered:
0x8: {  	[smem:$0x3FAE] =	sst s0  }
0x9: {  	[smem:$0x3FAF] =	sst s1  }
0xa: {  	[smem:$0x3FB0] =	sst s2  }
0xb: {  	[smem:$0x3FB1] =	sst s3  }
0xc: {  	[smem:$0x3FB2] =	sst s4  }
0xd: {  	[smem:$0x3FB3] =	sst s5  }
0xe: {  	[smem:$0x3FB4] =	sst s6  }
0xf: {  	[smem:$0x3FB5] =	sst s7  }
0x10: {  	[smem:$0x3FB6] =	sst s8  }
0x11: {  	[smem:$0x3FB7] =	sst s9;
	s0 =	simm.s32 @!p0 $0x0  }
0x12: {  	s1 =	sld [smem:$0x3F9D];
	s0 =	simm.s32 @p0 $0x1  }
0x13: {  	[smem:$0x3FB8] =	sst s0;
	s0 =	simm.s32 @!p1 $0x0  }
0x14: {  	s2 =	sld [smem:$0x3F9C];
	s0 =	simm.s32 @p1 $0x1  }
0x15: {  	[smem:$0x3FB9] =	sst s0;
	s0 =	simm.s32 @!p2 $0x0  }
0x16: {  	s3 =	sld [smem:$0x3FDB];
	s0 =	simm.s32 @p2 $0x1  }
0x17: {  	s4 =	simm.s32 $0x1BF5;
	[smem:$0x3FBB] =	sst s0  }
0x18: {  	s0 =	sld [smem:$0x3F9E];
	_ =	swait.ge [sflag:s4], $0x0  }
0x19: {  	s7 =	sld [smem:$0x3F9F]  }
0x1a: {  	s8 =	sadd.s32 $0xFFFFE003, lr  }
0x1b: {  	s9 =	sadd.s32 $0xFFFFFEF7, lr;
	s5 =	simm.s32 $0xFFFFFFFF;
	p2 =	slt.u32 s8, $0xFFFFF086  }
0x1c: {  	p1 =	slt.u32 s9, $0xF7A;
	s5 =	simm.s32 @!p2 $0x0  }
0x1d: {  	s5 =	simm.s32 @p1 $0x1;
	p0 =	seq.s32 s7, s2  }
0x1e: {  	s7 =	smul.u32 @!p0 $0xF7A, s2;
	p2 =	seq.s32 @!p0 s5, $0x0  }
0x1f: {  	s9 =	smul.u32 $0xF7A, s1;
	s8 =	simm.s32 @!p0 $0x1BF5;
	p2 =	por !p2, p0  }
0x20: {  	[sflag:s8] =	ssyncset.s32 @!p0 $0xFFFFF086;
	s6 =	sadd.s32 @!p0 s3, s7;
	s7 =	simm.s32 @!p0 $0x108  }
0x21: {  	s3 =	sadd.s32 s3, s9;
	s6 =	sadd.s32 @!p0 $0x88, s6;
	s7 =	simm.s32 @p2 $0x1082  }
0x22: {  	[simem:s7], [sflag:s8] =	dma.local @!p0 [hbm:s6], $0xF7A  }
0x23: {  	s9 =	sor.u32 $0xD0000000, s2;
	s6 =	simm.s32 $0x108;
	_ =	swait.ge @!p0 [sflag:s8], $0x0  }
0x24: {  	s3 =	sadd.s32 $0x88, s3;
	s6 =	simm.s32 @!p1 $0x1082;
	[sflag:s4] =	ssyncset.s32 $0xFFFFF086  }
0x25: {  	[simem:s6], [sflag:s4] =	dma.local [hbm:s3], $0xF7A  }
0x26: {  	[smem:$0x3F9F] =	sst s1;
	(tag) =	ssettag s2;
	_ =	strace s9  }
0x27: {  	s1 =	sld [smem:$0x3FAF]  }
0x28: {  	s2 =	sld [smem:$0x3FB0]  }
0x29: {  	s4 =	sld [smem:$0x3FB2]  }
0x2a: {  	p0 =	seq.s32 s5, $0x0;
	s5 =	sld [smem:$0x3FB3]  }
0x2b: {  	s6 =	sld [smem:$0x3FB4]  }
0x2c: {  	s7 =	sld [smem:$0x3FB5]  }
0x2d: {  	s3 =	simm.s32 $0x108;
	s8 =	sld [smem:$0x3FB6]  }
0x2e: {  	s3 =	simm.s32 @!p0 $0x1082;
	s9 =	sld [smem:$0x3FB7]  }
0x2f: {  	lr =	sadd.s32 s0, s3;
	s0 =	sld [smem:$0x3FAE]  }
0x30: {  	s3 =	sld [smem:$0x3FB1]  }
0x31: {  	[smem:$0x3FBA] =	sst s10  }
0x32: {  	s10 =	sld [smem:$0x3FB8];
	_ =	sdelay $0x3  }
0x33: {  	p0 =	seq.s32 s10, $0x1;
	s10 =	sld [smem:$0x3FBA];
	_ =	sdelay $0x3  }
0x34: {  	[smem:$0x3FBA] =	sst s10  }
0x35: {  	s10 =	sld [smem:$0x3FB9];
	_ =	sdelay $0x3  }
0x36: {  	p1 =	seq.s32 s10, $0x1;
	s10 =	sld [smem:$0x3FBA];
	_ =	sdelay $0x3  }
0x37: {  	[smem:$0x3FBA] =	sst s10  }
0x38: {  	s10 =	sld [smem:$0x3FBB]  }
0x39: {  	_ = 	snop;
	(pc) =	sbr.ind lr, $3  }
0x3a: {  	_ = 	snop  }
0x3b: {  	_ = 	snop  }
0x3c: {  	p2 =	seq.s32 s10, $0x1;
	s10 =	sld [smem:$0x3FBA]  }
0x3d: {  	_ =	shalt  }
0x3e: {  	_ =	shalt  }
0x3f: {  	_ =	shalt  }
0x40: {  	_ =	shalt  }
0x41: {  	_ =	shalt  }
0x42: {  	_ =	shalt  }
0x43: {  	_ =	shalt  }
0x44: {  	_ =	shalt  }
0x45: {  	_ =	shalt  }
0x46: {  	_ =	shalt  }
0x47: {  	_ =	shalt  }
0x48: {  	_ =	shalt  }
0x49: {  	_ =	shalt  }
0x4a: {  	_ =	shalt  }
0x4b: {  	_ =	shalt  }
0x4c: {  	_ =	shalt  }
0x4d: {  	_ =	shalt  }
0x4e: {  	_ =	shalt  }
0x4f: {  	_ =	shalt  }
0x50: {  	_ =	shalt  }
0x51: {  	_ =	shalt  }
0x52: {  	_ =	shalt  }
0x53: {  	_ =	shalt  }
0x54: {  	_ =	shalt  }
0x55: {  	_ =	shalt  }
0x56: {  	_ =	shalt  }
0x57: {  	_ =	shalt  }
0x58: {  	_ =	shalt  }
0x59: {  	_ =	shalt  }
0x5a: {  	_ =	shalt  }
0x5b: {  	_ =	shalt  }
0x5c: {  	_ =	shalt  }
0x5d: {  	_ =	shalt  }
0x5e: {  	_ =	shalt  }
0x5f: {  	_ =	shalt  }
0x60: {  	_ =	shalt  }
0x61: {  	_ =	shalt  }
0x62: {  	_ =	shalt  }
0x63: {  	_ =	shalt  }
0x64: {  	_ =	shalt  }
0x65: {  	_ =	shalt  }
0x66: {  	_ =	shalt  }
0x67: {  	_ =	shalt  }
0x68: {  	_ =	shalt  }
0x69: {  	_ =	shalt  }
0x6a: {  	_ =	shalt  }
0x6b: {  	_ =	shalt  }
0x6c: {  	_ =	shalt  }
0x6d: {  	_ =	shalt  }
0x6e: {  	_ =	shalt  }
0x6f: {  	_ =	shalt  }
0x70: {  	_ =	shalt  }
0x71: {  	_ =	shalt  }
0x72: {  	_ =	shalt  }
0x73: {  	_ =	shalt  }
0x74: {  	_ =	shalt  }
0x75: {  	_ =	shalt  }
0x76: {  	_ =	shalt  }
0x77: {  	_ =	shalt  }
0x78: {  	_ =	shalt  }
0x79: {  	_ =	shalt  }
0x7a: {  	_ =	shalt  }
0x7b: {  	_ =	shalt  }
0x7c: {  	_ =	shalt  }
0x7d: {  	_ =	shalt  }
0x7e: {  	_ =	shalt  }
0x7f: {  	_ =	shalt  }
0x80: {  	_ =	shalt  }
0x81: {  	_ =	shalt  }
0x82: {  	_ =	shalt  }
0x83: {  	_ =	shalt  }
0x84: {  	_ =	shalt  }
0x85: {  	_ =	shalt  }
0x86: {  	_ =	shalt  }
0x87: {  	_ =	shalt  }
.Lfunc_end0:
.L_simem_size_0:
called_computation_lowered:
.L_overlay_start_0:
0x88: {  	s2 =	sld [smem:$0x3FD9]  }
0x89: {  	s3 =	sld [smem:$0x3FFE];
	_ =	sdelay $0x1  }
0x8a: {  	s1 =	srdreg.scid  }
0x8b: {  	s0 =	sand.u32 $0x1, s1  }
0x8c: {  	s17 =	sshll.u32 s0, $0xA;
	s2 =	sadd.s32 s3, s2  }
0x8d: {  	s2 =	sadd.s32 s2, s17  }
0x8e: {  	[smem:$0x3FC6] =	sst s2  }
0x8f: {  	_ = 	snop  }
0x90: {  	s2 =	sld [smem:$0x3FD0];
	(tm) =	ssettm $0x1  }
0x91: {  	s18 =	sld [smem:$0x3FFB];
	_ =	sdelay $0x3  }
0x92: {  	_ =	strace s18  }
0x93: {  	s3 =	sld [smem:$0x3FFC];
	_ =	sdelay $0x3  }
0x94: {  	_ =	strace s3  }
0x95: {  	s3 =	sld [smem:$0x3FFD];
	_ =	sdelay $0x3  }
0x96: {  	_ =	strace s3  }
0x97: {  	_ =	strace $0x8FFFFFFF  }
0x98: {  	s19 =	sld [smem:$0x3FDB];
	_ =	sdelay $0x1  }
0x99: {  	s4 =	simm.s32 $_scs_section_size  }
0x9a: {  	s5 =	simm.s32 $_size__tile_overlayer_lowered;
	s6 =	simm.s32 $_tile_overlayer_lowered  }
0x9b: {  	s22 =	simm.s32 $0x1BFF;
	s21 =	sshll.u32 s6, $0x1;
	s3 =	sadd.s32 s4, s19  }
0x9c: {  	s7 =	simm.s32 $0x0;
	s20 =	sshll.u32 s5, $0x1;
	s5 =	sadd.s32 s21, s3  }
0x9d: {  	[timem:s7], [sflag:s22] =	dma.local [hbm:s5], s20  }
0x9e: {  	_ =	swait.ge [sflag:s22], s20  }
0x9f: {  	s4 =	ssub.s32 $0x0, s20;
	[sflag:s22] =	ssyncset.done $0x0  }
0xa0: {  	[sflag:s22] =	ssyncadd.s32 s4;
	_ =	sdelay $0x1  }
0xa1: {  	s23 =	simm.s32 $0x1B8B  }
0xa2: {  	_ =	swait.ge [sflag:s23], $0x1  }
0xa3: {  	[sflag:s23] =	ssyncset.done $0x0  }
0xa4: {  	s25 =	simm.s32 $0x1B8E;
	s24 =	sld [smem:$0x3FFE];
	[sflag:s23] =	ssyncadd.s32 $0xFFFFFFFF  }
0xa5: {  	s26 =	simm.s32 $execute0_lowered;
	[smem:$0x3FD2] =	sst s25  }
0xa6: {  	s5 =	sshll.u32 s26, $0x1;
	_ =	strace $0x80000046;
	[dreg:$0x1] =	wrdreg $0xFFFFFFFF  }
0xa7: {  	s28 =	simm.s32 $_size_execute0_lowered;
	s3 =	sadd.s32 s3, s5;
	[dreg:$0x0] =	wrdreg $0x0  }
0xa8: {  	s5 =	sshll.u32 s28, $0x1;
	[dreg:$0x2] =	wrdreg s3  }
0xa9: {  	[dreg:$0x3] =	wrdreg s5  }
0xaa: {  	[dreg:$0x4] =	wrdreg $0xC0  }
0xab: {  	_ =	task [dreg:s7], $0x5FFFF  }
0xac: {  	[dreg:$0x1] =	wrdreg $0xFFFFFFFF  }
0xad: {  	[dreg:$0x0] =	wrdreg $0x60  }
0xae: {  	[dreg:$0x2] =	wrdreg s24  }
0xaf: {  	[dreg:$0x3] =	wrdreg s2  }
0xb0: {  	[dreg:$0x4] =	wrdreg $0x9  }
0xb1: {  	_ =	task.clear_ibuf [dreg:s7], $0x5FFFF;
	_ =	strace $0x90000046  }
0xb2: {  	s29 =	simm.s32 $0x9;
	_ =	strace $0x80000048  }
0xb3: {  	_ =	swait.ge [sflag:s29], $0x1  }
0xb4: {  	[sflag:s29] =	ssyncadd.s32 $0xFFFFFFFF  }
0xb5: {  	_ =	strace $0x90000048  }
0xb6: {  	_ =	sfence  }
0xb7: {  	s30 =	sld [smem:$0x0];
	_ =	sdelay $0x2  }
0xb8: {  	s31 =	sshll.u32 s1, $0xD;
	s1 =	sshrl.u32 s1, $0x2  }
0xb9: {  	s3 =	sand.u32 $0x4000, s31;
	s1 =	sadd.s32 s1, s30  }
0xba: {  	s0 =	sor.u32 s3, s0;
	s1 =	sshll.u32 s1, $0x11  }
0xbb: {  	s0 =	sor.u32 s1, s0  }
0xbc: {  	s0 =	sadd.s32 $0x8F2B, s0  }
0xbd: {  	[sflag:s0] =	ssyncadd.remote.s32 $0x1  }
0xbe: {  	_ =	sfence.sel $0xFFFF  }
0xbf: {  	[dreg:$0x0] =	wrdreg $0xFFFFFFFF;
	(pc) =	sbr.abs _section_cstart, $3  }
0xc0: {  	[dreg:$0x1] =	wrdreg $0xFFFFFFFF  }
0xc1: {  	_ =	task.clear_ibuf [dreg:s7], $0x2FFFF;
	_ =	strace $0x9FFFFFFF  }
0xc2: {  	(tm) =	ssettm $0x7FFFFFFF  }
0xc3: {  	_ =	shalt  }
tec
execute0_lowered:
.L_overlay_start_1:
0x0: {  	(tag) =	ssettag $0x1  }
0x1: {  	s0 =	rddreg [dreg:$0x0];
	s2 =	simm.s32 $0x0;
	s1 =	srdreg.scid  }
0x2: {  	s5 =	stileid.u32;
	s8 =	simm.s32 $0x2;
	s9 =	simm.s32 $0x32  }
0x3: {  	s21 =	simm.s32 $0x150;
	s22 =	simm.s32 $0x4E80;
	s23 =	simm.s32 $0x188  }
0x4: {  	s28 =	simm.s32 $0x1F8;
	s29 =	simm.s32 $0x7400;
	s30 =	simm.s32 $0x230  }
0x5: {  	s31 =	simm.s32 $0x8080;
	s7 =	simm.s32 $0x2A0;
	s10 =	simm.s32 $0xA600  }
0x6: {  	s11 =	simm.s32 $0x310;
	s12 =	simm.s32 $0xB280;
	s13 =	simm.s32 $0x348  }
0x7: {  	s14 =	simm.s32 $0xBF00;
	s15 =	simm.s32 $0x1;
	s16 =	simm.s32 $0xCB80  }
0x8: {  	s18 =	simm.s32 $0x0;
	[smem:$0x7FF] =	sst s2;
	s1 =	sand.u32 $0x1, s1  }
0x9: {  	s4 =	sadd.s32 $0x600, s0;
	s25 =	sshll.u32 s5, $0xA;
	s5 =	sadd.s32 $0xF42A00, s0  }
0xa: {  	s0 =	simm.s32 $0x268;
	s24 =	ssub.s32 $0x2, s1;
	s1 =	sshll.u32 s1, $0x9  }
0xb: {  	_ =	strace $0x80000047;
	s3 =	sshrl.u32 s24, $0x1;
	s6 =	sor.u32 s1, s25  }
0xc: {  	s25 =	simm.s32 $0x1C0;
	s1 =	simm.s32 $0x9980;
	s2 =	ssub.s32 s24, s3  }
0xd: {  	s24 =	simm.s32 $0x5B00;
	s3 =	simm.s32 $0x8D00;
	s26 =	smax.u32 s2, $0x1  }
0xe: {  	s2 =	simm.s32 $0x2D8;
	[dreg:$0x3] =	wrdreg s26;
	s26 =	simm.s32 $0x6780  }
.LBB2_1:
0xf: {  	[dreg:$0x4] =	wrdreg s18;
	s17 =	simm.s32 $0x0  }
.LBB2_2:
0x10: {  	s18 =	sshll.u32 s17, $0x4  }
0x11: {  	s18 =	sadd.s32 s6, s18  }
0x12: {  	s19 =	smul.u32 $0x7, s18;
	_ =	sdelay $0x1  }
0x13: {  	s20 =	simm.s32 $0x0;
	s19 =	sadd.s32 s4, s19  }
0x14: {  	[tilespmem:s20], [sflag:$0x2] =	stream.linear.gather [hbm4b:s19+s20], $0x380, $0x38;
	[tilespmem:$0xCF80] =	vst v63  }
0x15: {  	_ =	swait.ge [sflag:s8], $0x380  }
0x16: {  	[sflag:s8] =	ssyncset.done $0x0  }
0x17: {  	s19 =	simm.s32 $0x380;
	[sflag:s8] =	ssyncadd.s32 $0xFFFFFC80  }
0x18: {  	[tilespmem:s19], [sflag:$0x1] =	stream.indirect.gather [hbm4b:s5+s9], $0x40, s20, s9, $0xb8;
	[tilespmem:$0xCF80] =	vst v63  }
0x19: {  	s19 =	simm.s32 $0x38;
	s20 =	simm.s32 $0x1000  }
0x1a: {  	[tilespmem:s20], [sflag:$0x1] =	stream.indirect.gather [hbm4b:s5+s9], $0x40, s19, s9, $0xb8;
	[tilespmem:$0xCF80] =	vst v63  }
0x1b: {  	s19 =	simm.s32 $0x70;
	s20 =	simm.s32 $0x1C80  }
0x1c: {  	[tilespmem:s20], [sflag:$0x1] =	stream.indirect.gather [hbm4b:s5+s9], $0x40, s19, s9, $0xb8;
	[tilespmem:$0xCF80] =	vst v63  }
0x1d: {  	s19 =	simm.s32 $0xA8;
	s20 =	simm.s32 $0x2900  }
0x1e: {  	[tilespmem:s20], [sflag:$0x1] =	stream.indirect.gather [hbm4b:s5+s9], $0x40, s19, s9, $0xb8;
	[tilespmem:$0xCF80] =	vst v63  }
0x1f: {  	s19 =	simm.s32 $0xE0;
	s20 =	simm.s32 $0x3580  }
0x20: {  	[tilespmem:s20], [sflag:$0x1] =	stream.indirect.gather [hbm4b:s5+s9], $0x40, s19, s9, $0xb8;
	[tilespmem:$0xCF80] =	vst v63  }
0x21: {  	s19 =	simm.s32 $0x118;
	s20 =	simm.s32 $0x4200  }
0x22: {  	[tilespmem:s20], [sflag:$0x1] =	stream.indirect.gather [hbm4b:s5+s9], $0x40, s19, s9, $0xb8;
	[tilespmem:$0xCF80] =	vst v63  }
0x23: {  	_ = 	snop  }
0x24: {  	[tilespmem:s22], [sflag:$0x1] =	stream.indirect.gather [hbm4b:s5+s9], $0x40, s21, s9, $0xb8;
	[tilespmem:$0xCF80] =	vst v63  }
0x25: {  	_ = 	snop  }
0x26: {  	[tilespmem:s24], [sflag:$0x1] =	stream.indirect.gather [hbm4b:s5+s9], $0x40, s23, s9, $0xb8;
	[tilespmem:$0xCF80] =	vst v63  }
0x27: {  	_ = 	snop  }
0x28: {  	[tilespmem:s26], [sflag:$0x1] =	stream.indirect.gather [hbm4b:s5+s9], $0x40, s25, s9, $0xb8;
	[tilespmem:$0xCF80] =	vst v63  }
0x29: {  	_ = 	snop  }
0x2a: {  	[tilespmem:s29], [sflag:$0x1] =	stream.indirect.gather [hbm4b:s5+s9], $0x40, s28, s9, $0xb8;
	[tilespmem:$0xCF80] =	vst v63  }
0x2b: {  	_ = 	snop  }
0x2c: {  	[tilespmem:s31], [sflag:$0x1] =	stream.indirect.gather [hbm4b:s5+s9], $0x40, s30, s9, $0xb8;
	[tilespmem:$0xCF80] =	vst v63  }
0x2d: {  	_ = 	snop  }
0x2e: {  	[tilespmem:s3], [sflag:$0x1] =	stream.indirect.gather [hbm4b:s5+s9], $0x40, s0, s9, $0xb8;
	[tilespmem:$0xCF80] =	vst v63  }
0x2f: {  	_ = 	snop  }
0x30: {  	[tilespmem:s1], [sflag:$0x1] =	stream.indirect.gather [hbm4b:s5+s9], $0x40, s7, s9, $0xb8;
	[tilespmem:$0xCF80] =	vst v63  }
0x31: {  	_ = 	snop  }
0x32: {  	[tilespmem:s10], [sflag:$0x1] =	stream.indirect.gather [hbm4b:s5+s9], $0x40, s2, s9, $0xb8;
	[tilespmem:$0xCF80] =	vst v63  }
0x33: {  	_ = 	snop  }
0x34: {  	[tilespmem:s12], [sflag:$0x1] =	stream.indirect.gather [hbm4b:s5+s9], $0x40, s11, s9, $0xb8;
	[tilespmem:$0xCF80] =	vst v63  }
0x35: {  	_ = 	snop  }
0x36: {  	[tilespmem:s14], [sflag:$0x1] =	stream.indirect.gather [hbm4b:s5+s9], $0x40, s13, s9, $0xb8;
	[tilespmem:$0xCF80] =	vst v63  }
0x37: {  	_ =	swait.ge [sflag:s15], $0xC80  }
0x38: {  	[sflag:s15] =	ssyncset.done $0x0  }
0x39: {  	[sflag:s15] =	ssyncadd.s32 $0xFFFFF380  }
0x3a: {  	_ =	swait.ge [sflag:s15], $0xC80  }
0x3b: {  	[sflag:s15] =	ssyncset.done $0x0  }
0x3c: {  	[sflag:s15] =	ssyncadd.s32 $0xFFFFF380  }
0x3d: {  	_ =	swait.ge [sflag:s15], $0xC80  }
0x3e: {  	[sflag:s15] =	ssyncset.done $0x0  }
0x3f: {  	[sflag:s15] =	ssyncadd.s32 $0xFFFFF380  }
0x40: {  	_ =	swait.ge [sflag:s15], $0xC80  }
0x41: {  	[sflag:s15] =	ssyncset.done $0x0  }
0x42: {  	[sflag:s15] =	ssyncadd.s32 $0xFFFFF380  }
0x43: {  	_ =	swait.ge [sflag:s15], $0xC80  }
0x44: {  	[sflag:s15] =	ssyncset.done $0x0  }
0x45: {  	[sflag:s15] =	ssyncadd.s32 $0xFFFFF380  }
0x46: {  	_ =	swait.ge [sflag:s15], $0xC80  }
0x47: {  	[sflag:s15] =	ssyncset.done $0x0  }
0x48: {  	[sflag:s15] =	ssyncadd.s32 $0xFFFFF380  }
0x49: {  	_ =	swait.ge [sflag:s15], $0xC80  }
0x4a: {  	[sflag:s15] =	ssyncset.done $0x0  }
0x4b: {  	[sflag:s15] =	ssyncadd.s32 $0xFFFFF380  }
0x4c: {  	_ =	swait.ge [sflag:s15], $0xC80  }
0x4d: {  	[sflag:s15] =	ssyncset.done $0x0  }
0x4e: {  	[sflag:s15] =	ssyncadd.s32 $0xFFFFF380  }
0x4f: {  	_ =	swait.ge [sflag:s15], $0xC80  }
0x50: {  	[sflag:s15] =	ssyncset.done $0x0  }
0x51: {  	[sflag:s15] =	ssyncadd.s32 $0xFFFFF380  }
0x52: {  	_ =	swait.ge [sflag:s15], $0xC80  }
0x53: {  	[sflag:s15] =	ssyncset.done $0x0  }
0x54: {  	[sflag:s15] =	ssyncadd.s32 $0xFFFFF380  }
0x55: {  	_ =	swait.ge [sflag:s15], $0xC80  }
0x56: {  	[sflag:s15] =	ssyncset.done $0x0  }
0x57: {  	[sflag:s15] =	ssyncadd.s32 $0xFFFFF380  }
0x58: {  	_ =	swait.ge [sflag:s15], $0xC80  }
0x59: {  	[sflag:s15] =	ssyncset.done $0x0  }
0x5a: {  	[sflag:s15] =	ssyncadd.s32 $0xFFFFF380  }
0x5b: {  	_ =	swait.ge [sflag:s15], $0xC80  }
0x5c: {  	[sflag:s15] =	ssyncset.done $0x0  }
0x5d: {  	[sflag:s15] =	ssyncadd.s32 $0xFFFFF380  }
0x5e: {  	_ =	swait.ge [sflag:s15], $0xC80  }
0x5f: {  	[sflag:s15] =	ssyncset.done $0x0  }
0x60: {  	[sflag:s15] =	ssyncadd.s32 $0xFFFFF380  }
0x61: {  	_ =	swait.ge [sflag:s15], $0xC80  }
0x62: {  	[sflag:s15] =	ssyncset.done $0x0  }
0x63: {  	[sflag:s15] =	ssyncadd.s32 $0xFFFFF380  }
0x64: {  	_ =	swait.ge [sflag:s15], $0xC80  }
0x65: {  	[sflag:s15] =	ssyncset.done $0x0  }
0x66: {  	s20 =	simm.s32 $0x0;
	[sflag:s15] =	ssyncadd.s32 $0xFFFFF380  }
0x67: {  	v1 =	vld [tilespmem:s20+$0x3B0]  }
0x68: {  	v2 =	vld [tilespmem:s20+$0x380]  }
0x69: {  	v0 =	vimm.f32 $0.0e+00;
	v3 =	vld [tilespmem:s20+$0x390]  }
0x6a: {  	v5 =	vimm.f32 $0.0e+00;
	v6 =	vimm.f32 $0.0e+00;
	v7 =	vimm.f32 $0.0e+00;
	s19 =	simm.s32 $0x100;
	v4 =	vld [tilespmem:s20+$0x3A0]  }
.LBB2_3:
0x6b: {  	p0 =	sne.s32 s19, $0x3100  }
.Ltmp0:
0x6c: {  	s20 =	sshra.s32 s19, $0x2;
	s19 =	sadd.s32 $0x100, s19;
	v0 =	vadd.f32 v1, v0;
	(pc) =	sbr.rel @p0 .LBB2_3-.Ltmp0, $4  }
0x6d: {  	v1 =	vld [tilespmem:s20+$0x3B0];
	v5 =	vadd.f32 v2, v5  }
0x6e: {  	v2 =	vld [tilespmem:s20+$0x380];
	v6 =	vadd.f32 v3, v6  }
0x6f: {  	v3 =	vld [tilespmem:s20+$0x390];
	v7 =	vadd.f32 v4, v7  }
0x70: {  	v4 =	vld [tilespmem:s20+$0x3A0]  }
0x71: {  	_ = 	snop  }
0x72: {  	v0 =	vadd.f32 v1, v0  }
0x73: {  	v2 =	vadd.f32 v2, v5  }
0x74: {  	v3 =	vadd.f32 v3, v6;
	v0 =	vmul.f32 $1.999999960e-02, v0  }
0x75: {  	v4 =	vadd.f32 v4, v7;
	v2 =	vmul.f32 $1.999999960e-02, v2  }
0x76: {  	v1 =	vmul.f32 $1.999999960e-02, v3;
	[tilespmem:$0xCBB0] =	vst v0  }
0x77: {  	[tilespmem:$0xCB80] =	vst v2;
	v2 =	vmul.f32 $1.999999960e-02, v4  }
0x78: {  	[tilespmem:$0xCB90] =	vst v1  }
0x79: {  	s20 =	simm.s32 $0x0;
	[tilespmem:$0xCBA0] =	vst v2  }
0x7a: {  	v1 =	vld [tilespmem:s20+$0x1030]  }
0x7b: {  	v2 =	vld [tilespmem:s20+$0x1000]  }
0x7c: {  	v5 =	vimm.f32 $0.0e+00;
	v3 =	vld [tilespmem:s20+$0x1010]  }
0x7d: {  	s19 =	simm.s32 $0x100;
	v6 =	vimm.f32 $0.0e+00;
	v7 =	vimm.f32 $0.0e+00;
	v0 =	vimm.f32 $0.0e+00;
	v4 =	vld [tilespmem:s20+$0x1020]  }
.LBB2_5:
0x7e: {  	p0 =	sne.s32 s19, $0x3100  }
.Ltmp1:
0x7f: {  	s20 =	sshra.s32 s19, $0x2;
	s19 =	sadd.s32 $0x100, s19;
	v0 =	vadd.f32 v1, v0;
	(pc) =	sbr.rel @p0 .LBB2_5-.Ltmp1, $4  }
0x80: {  	v1 =	vld [tilespmem:s20+$0x1030];
	v5 =	vadd.f32 v2, v5  }
0x81: {  	v2 =	vld [tilespmem:s20+$0x1000];
	v6 =	vadd.f32 v3, v6  }
0x82: {  	v3 =	vld [tilespmem:s20+$0x1010];
	v7 =	vadd.f32 v4, v7  }
0x83: {  	v4 =	vld [tilespmem:s20+$0x1020]  }
0x84: {  	_ = 	snop  }
0x85: {  	v0 =	vadd.f32 v1, v0  }
0x86: {  	v2 =	vadd.f32 v2, v5  }
0x87: {  	v3 =	vadd.f32 v3, v6;
	v0 =	vmul.f32 $1.999999960e-02, v0  }
0x88: {  	v4 =	vadd.f32 v4, v7;
	v2 =	vmul.f32 $1.999999960e-02, v2  }
0x89: {  	v1 =	vmul.f32 $1.999999960e-02, v3;
	[tilespmem:$0xCBF0] =	vst v0  }
0x8a: {  	[tilespmem:$0xCBC0] =	vst v2;
	v2 =	vmul.f32 $1.999999960e-02, v4  }
0x8b: {  	[tilespmem:$0xCBD0] =	vst v1  }
0x8c: {  	s20 =	simm.s32 $0x0;
	[tilespmem:$0xCBE0] =	vst v2  }
0x8d: {  	v1 =	vld [tilespmem:s20+$0x1CB0]  }
0x8e: {  	v2 =	vld [tilespmem:s20+$0x1C80]  }
0x8f: {  	v5 =	vimm.f32 $0.0e+00;
	v3 =	vld [tilespmem:s20+$0x1C90]  }
0x90: {  	s19 =	simm.s32 $0x100;
	v6 =	vimm.f32 $0.0e+00;
	v7 =	vimm.f32 $0.0e+00;
	v0 =	vimm.f32 $0.0e+00;
	v4 =	vld [tilespmem:s20+$0x1CA0]  }
.LBB2_7:
0x91: {  	p0 =	sne.s32 s19, $0x3100  }
.Ltmp2:
0x92: {  	s20 =	sshra.s32 s19, $0x2;
	s19 =	sadd.s32 $0x100, s19;
	v0 =	vadd.f32 v1, v0;
	(pc) =	sbr.rel @p0 .LBB2_7-.Ltmp2, $4  }
0x93: {  	v1 =	vld [tilespmem:s20+$0x1CB0];
	v5 =	vadd.f32 v2, v5  }
0x94: {  	v2 =	vld [tilespmem:s20+$0x1C80];
	v6 =	vadd.f32 v3, v6  }
0x95: {  	v3 =	vld [tilespmem:s20+$0x1C90];
	v7 =	vadd.f32 v4, v7  }
0x96: {  	v4 =	vld [tilespmem:s20+$0x1CA0]  }
0x97: {  	_ = 	snop  }
0x98: {  	v0 =	vadd.f32 v1, v0  }
0x99: {  	v2 =	vadd.f32 v2, v5  }
0x9a: {  	v3 =	vadd.f32 v3, v6;
	v0 =	vmul.f32 $1.999999960e-02, v0  }
0x9b: {  	v4 =	vadd.f32 v4, v7;
	v2 =	vmul.f32 $1.999999960e-02, v2  }
0x9c: {  	v1 =	vmul.f32 $1.999999960e-02, v3;
	[tilespmem:$0xCC30] =	vst v0  }
0x9d: {  	[tilespmem:$0xCC00] =	vst v2;
	v2 =	vmul.f32 $1.999999960e-02, v4  }
0x9e: {  	[tilespmem:$0xCC10] =	vst v1  }
0x9f: {  	s20 =	simm.s32 $0x0;
	[tilespmem:$0xCC20] =	vst v2  }
0xa0: {  	v1 =	vld [tilespmem:s20+$0x2930]  }
0xa1: {  	v2 =	vld [tilespmem:s20+$0x2900]  }
0xa2: {  	v5 =	vimm.f32 $0.0e+00;
	v3 =	vld [tilespmem:s20+$0x2910]  }
0xa3: {  	s19 =	simm.s32 $0x100;
	v6 =	vimm.f32 $0.0e+00;
	v7 =	vimm.f32 $0.0e+00;
	v0 =	vimm.f32 $0.0e+00;
	v4 =	vld [tilespmem:s20+$0x2920]  }
.LBB2_9:
0xa4: {  	p0 =	sne.s32 s19, $0x3100  }
.Ltmp3:
0xa5: {  	s20 =	sshra.s32 s19, $0x2;
	s19 =	sadd.s32 $0x100, s19;
	v0 =	vadd.f32 v1, v0;
	(pc) =	sbr.rel @p0 .LBB2_9-.Ltmp3, $4  }
0xa6: {  	v1 =	vld [tilespmem:s20+$0x2930];
	v5 =	vadd.f32 v2, v5  }
0xa7: {  	v2 =	vld [tilespmem:s20+$0x2900];
	v6 =	vadd.f32 v3, v6  }
0xa8: {  	v3 =	vld [tilespmem:s20+$0x2910];
	v7 =	vadd.f32 v4, v7  }
0xa9: {  	v4 =	vld [tilespmem:s20+$0x2920]  }
0xaa: {  	_ = 	snop  }
0xab: {  	v0 =	vadd.f32 v1, v0  }
0xac: {  	v2 =	vadd.f32 v2, v5  }
0xad: {  	v3 =	vadd.f32 v3, v6;
	v0 =	vmul.f32 $1.999999960e-02, v0  }
0xae: {  	v4 =	vadd.f32 v4, v7;
	v2 =	vmul.f32 $1.999999960e-02, v2  }
0xaf: {  	v1 =	vmul.f32 $1.999999960e-02, v3;
	[tilespmem:$0xCC70] =	vst v0  }
0xb0: {  	[tilespmem:$0xCC40] =	vst v2;
	v2 =	vmul.f32 $1.999999960e-02, v4  }
0xb1: {  	[tilespmem:$0xCC50] =	vst v1  }
0xb2: {  	s20 =	simm.s32 $0x0;
	[tilespmem:$0xCC60] =	vst v2  }
0xb3: {  	v1 =	vld [tilespmem:s20+$0x35B0]  }
0xb4: {  	v2 =	vld [tilespmem:s20+$0x3580]  }
0xb5: {  	v5 =	vimm.f32 $0.0e+00;
	v3 =	vld [tilespmem:s20+$0x3590]  }
0xb6: {  	s19 =	simm.s32 $0x100;
	v6 =	vimm.f32 $0.0e+00;
	v7 =	vimm.f32 $0.0e+00;
	v0 =	vimm.f32 $0.0e+00;
	v4 =	vld [tilespmem:s20+$0x35A0]  }
.LBB2_11:
0xb7: {  	p0 =	sne.s32 s19, $0x3100  }
.Ltmp4:
0xb8: {  	s20 =	sshra.s32 s19, $0x2;
	s19 =	sadd.s32 $0x100, s19;
	v0 =	vadd.f32 v1, v0;
	(pc) =	sbr.rel @p0 .LBB2_11-.Ltmp4, $4  }
0xb9: {  	v1 =	vld [tilespmem:s20+$0x35B0];
	v5 =	vadd.f32 v2, v5  }
0xba: {  	v2 =	vld [tilespmem:s20+$0x3580];
	v6 =	vadd.f32 v3, v6  }
0xbb: {  	v3 =	vld [tilespmem:s20+$0x3590];
	v7 =	vadd.f32 v4, v7  }
0xbc: {  	v4 =	vld [tilespmem:s20+$0x35A0]  }
0xbd: {  	_ = 	snop  }
0xbe: {  	v0 =	vadd.f32 v1, v0  }
0xbf: {  	v2 =	vadd.f32 v2, v5  }
0xc0: {  	v3 =	vadd.f32 v3, v6;
	v0 =	vmul.f32 $1.999999960e-02, v0  }
0xc1: {  	v4 =	vadd.f32 v4, v7;
	v2 =	vmul.f32 $1.999999960e-02, v2  }
0xc2: {  	v1 =	vmul.f32 $1.999999960e-02, v3;
	[tilespmem:$0xCCB0] =	vst v0  }
0xc3: {  	[tilespmem:$0xCC80] =	vst v2;
	v2 =	vmul.f32 $1.999999960e-02, v4  }
0xc4: {  	[tilespmem:$0xCC90] =	vst v1  }
0xc5: {  	s20 =	simm.s32 $0x0;
	[tilespmem:$0xCCA0] =	vst v2  }
0xc6: {  	v1 =	vld [tilespmem:s20+$0x4230]  }
0xc7: {  	v2 =	vld [tilespmem:s20+$0x4200]  }
0xc8: {  	v5 =	vimm.f32 $0.0e+00;
	v3 =	vld [tilespmem:s20+$0x4210]  }
0xc9: {  	s19 =	simm.s32 $0x100;
	v6 =	vimm.f32 $0.0e+00;
	v7 =	vimm.f32 $0.0e+00;
	v0 =	vimm.f32 $0.0e+00;
	v4 =	vld [tilespmem:s20+$0x4220]  }
.LBB2_13:
0xca: {  	p0 =	sne.s32 s19, $0x3100  }
.Ltmp5:
0xcb: {  	s20 =	sshra.s32 s19, $0x2;
	s19 =	sadd.s32 $0x100, s19;
	v0 =	vadd.f32 v1, v0;
	(pc) =	sbr.rel @p0 .LBB2_13-.Ltmp5, $4  }
0xcc: {  	v1 =	vld [tilespmem:s20+$0x4230];
	v5 =	vadd.f32 v2, v5  }
0xcd: {  	v2 =	vld [tilespmem:s20+$0x4200];
	v6 =	vadd.f32 v3, v6  }
0xce: {  	v3 =	vld [tilespmem:s20+$0x4210];
	v7 =	vadd.f32 v4, v7  }
0xcf: {  	v4 =	vld [tilespmem:s20+$0x4220]  }
0xd0: {  	_ = 	snop  }
0xd1: {  	v0 =	vadd.f32 v1, v0  }
0xd2: {  	v2 =	vadd.f32 v2, v5  }
0xd3: {  	v3 =	vadd.f32 v3, v6;
	v0 =	vmul.f32 $1.999999960e-02, v0  }
0xd4: {  	v4 =	vadd.f32 v4, v7;
	v2 =	vmul.f32 $1.999999960e-02, v2  }
0xd5: {  	v1 =	vmul.f32 $1.999999960e-02, v3;
	[tilespmem:$0xCCF0] =	vst v0  }
0xd6: {  	[tilespmem:$0xCCC0] =	vst v2;
	v2 =	vmul.f32 $1.999999960e-02, v4  }
0xd7: {  	[tilespmem:$0xCCD0] =	vst v1  }
0xd8: {  	s20 =	simm.s32 $0x0;
	[tilespmem:$0xCCE0] =	vst v2  }
0xd9: {  	v1 =	vld [tilespmem:s20+$0x4EB0]  }
0xda: {  	v2 =	vld [tilespmem:s20+$0x4E80]  }
0xdb: {  	v5 =	vimm.f32 $0.0e+00;
	v3 =	vld [tilespmem:s20+$0x4E90]  }
0xdc: {  	s19 =	simm.s32 $0x100;
	v6 =	vimm.f32 $0.0e+00;
	v7 =	vimm.f32 $0.0e+00;
	v0 =	vimm.f32 $0.0e+00;
	v4 =	vld [tilespmem:s20+$0x4EA0]  }
.LBB2_15:
0xdd: {  	p0 =	sne.s32 s19, $0x3100  }
.Ltmp6:
0xde: {  	s20 =	sshra.s32 s19, $0x2;
	s19 =	sadd.s32 $0x100, s19;
	v0 =	vadd.f32 v1, v0;
	(pc) =	sbr.rel @p0 .LBB2_15-.Ltmp6, $4  }
0xdf: {  	v1 =	vld [tilespmem:s20+$0x4EB0];
	v5 =	vadd.f32 v2, v5  }
0xe0: {  	v2 =	vld [tilespmem:s20+$0x4E80];
	v6 =	vadd.f32 v3, v6  }
0xe1: {  	v3 =	vld [tilespmem:s20+$0x4E90];
	v7 =	vadd.f32 v4, v7  }
0xe2: {  	v4 =	vld [tilespmem:s20+$0x4EA0]  }
0xe3: {  	_ = 	snop  }
0xe4: {  	v0 =	vadd.f32 v1, v0  }
0xe5: {  	v2 =	vadd.f32 v2, v5  }
0xe6: {  	v3 =	vadd.f32 v3, v6;
	v0 =	vmul.f32 $1.999999960e-02, v0  }
0xe7: {  	v4 =	vadd.f32 v4, v7;
	v2 =	vmul.f32 $1.999999960e-02, v2  }
0xe8: {  	v1 =	vmul.f32 $1.999999960e-02, v3;
	[tilespmem:$0xCD30] =	vst v0  }
0xe9: {  	[tilespmem:$0xCD00] =	vst v2;
	v2 =	vmul.f32 $1.999999960e-02, v4  }
0xea: {  	[tilespmem:$0xCD10] =	vst v1  }
0xeb: {  	s20 =	simm.s32 $0x0;
	[tilespmem:$0xCD20] =	vst v2  }
0xec: {  	v1 =	vld [tilespmem:s20+$0x5B30]  }
0xed: {  	v2 =	vld [tilespmem:s20+$0x5B00]  }
0xee: {  	v5 =	vimm.f32 $0.0e+00;
	v3 =	vld [tilespmem:s20+$0x5B10]  }
0xef: {  	s19 =	simm.s32 $0x100;
	v6 =	vimm.f32 $0.0e+00;
	v7 =	vimm.f32 $0.0e+00;
	v0 =	vimm.f32 $0.0e+00;
	v4 =	vld [tilespmem:s20+$0x5B20]  }
.LBB2_17:
0xf0: {  	p0 =	sne.s32 s19, $0x3100  }
.Ltmp7:
0xf1: {  	s20 =	sshra.s32 s19, $0x2;
	s19 =	sadd.s32 $0x100, s19;
	v0 =	vadd.f32 v1, v0;
	(pc) =	sbr.rel @p0 .LBB2_17-.Ltmp7, $4  }
0xf2: {  	v1 =	vld [tilespmem:s20+$0x5B30];
	v5 =	vadd.f32 v2, v5  }
0xf3: {  	v2 =	vld [tilespmem:s20+$0x5B00];
	v6 =	vadd.f32 v3, v6  }
0xf4: {  	v3 =	vld [tilespmem:s20+$0x5B10];
	v7 =	vadd.f32 v4, v7  }
0xf5: {  	v4 =	vld [tilespmem:s20+$0x5B20]  }
0xf6: {  	_ = 	snop  }
0xf7: {  	v0 =	vadd.f32 v1, v0  }
0xf8: {  	v2 =	vadd.f32 v2, v5  }
0xf9: {  	v3 =	vadd.f32 v3, v6;
	v0 =	vmul.f32 $1.999999960e-02, v0  }
0xfa: {  	v4 =	vadd.f32 v4, v7;
	v2 =	vmul.f32 $1.999999960e-02, v2  }
0xfb: {  	v1 =	vmul.f32 $1.999999960e-02, v3;
	[tilespmem:$0xCD70] =	vst v0  }
0xfc: {  	[tilespmem:$0xCD40] =	vst v2;
	v2 =	vmul.f32 $1.999999960e-02, v4  }
0xfd: {  	[tilespmem:$0xCD50] =	vst v1  }
0xfe: {  	s20 =	simm.s32 $0x0;
	[tilespmem:$0xCD60] =	vst v2  }
0xff: {  	v1 =	vld [tilespmem:s20+$0x67B0]  }
0x100: {  	v2 =	vld [tilespmem:s20+$0x6780]  }
0x101: {  	v5 =	vimm.f32 $0.0e+00;
	v3 =	vld [tilespmem:s20+$0x6790]  }
0x102: {  	s19 =	simm.s32 $0x100;
	v6 =	vimm.f32 $0.0e+00;
	v7 =	vimm.f32 $0.0e+00;
	v0 =	vimm.f32 $0.0e+00;
	v4 =	vld [tilespmem:s20+$0x67A0]  }
.LBB2_19:
0x103: {  	p0 =	sne.s32 s19, $0x3100  }
.Ltmp8:
0x104: {  	s20 =	sshra.s32 s19, $0x2;
	s19 =	sadd.s32 $0x100, s19;
	v0 =	vadd.f32 v1, v0;
	(pc) =	sbr.rel @p0 .LBB2_19-.Ltmp8, $4  }
0x105: {  	v1 =	vld [tilespmem:s20+$0x67B0];
	v5 =	vadd.f32 v2, v5  }
0x106: {  	v2 =	vld [tilespmem:s20+$0x6780];
	v6 =	vadd.f32 v3, v6  }
0x107: {  	v3 =	vld [tilespmem:s20+$0x6790];
	v7 =	vadd.f32 v4, v7  }
0x108: {  	v4 =	vld [tilespmem:s20+$0x67A0]  }
0x109: {  	_ = 	snop  }
0x10a: {  	v0 =	vadd.f32 v1, v0  }
0x10b: {  	v2 =	vadd.f32 v2, v5  }
0x10c: {  	v3 =	vadd.f32 v3, v6;
	v0 =	vmul.f32 $1.999999960e-02, v0  }
0x10d: {  	v4 =	vadd.f32 v4, v7;
	v2 =	vmul.f32 $1.999999960e-02, v2  }
0x10e: {  	v1 =	vmul.f32 $1.999999960e-02, v3;
	[tilespmem:$0xCDB0] =	vst v0  }
0x10f: {  	[tilespmem:$0xCD80] =	vst v2;
	v2 =	vmul.f32 $1.999999960e-02, v4  }
0x110: {  	[tilespmem:$0xCD90] =	vst v1  }
0x111: {  	s20 =	simm.s32 $0x0;
	[tilespmem:$0xCDA0] =	vst v2  }
0x112: {  	v1 =	vld [tilespmem:s20+$0x7430]  }
0x113: {  	v2 =	vld [tilespmem:s20+$0x7400]  }
0x114: {  	v5 =	vimm.f32 $0.0e+00;
	v3 =	vld [tilespmem:s20+$0x7410]  }
0x115: {  	s19 =	simm.s32 $0x100;
	v6 =	vimm.f32 $0.0e+00;
	v7 =	vimm.f32 $0.0e+00;
	v0 =	vimm.f32 $0.0e+00;
	v4 =	vld [tilespmem:s20+$0x7420]  }
.LBB2_21:
0x116: {  	p0 =	sne.s32 s19, $0x3100  }
.Ltmp9:
0x117: {  	s20 =	sshra.s32 s19, $0x2;
	s19 =	sadd.s32 $0x100, s19;
	v0 =	vadd.f32 v1, v0;
	(pc) =	sbr.rel @p0 .LBB2_21-.Ltmp9, $4  }
0x118: {  	v1 =	vld [tilespmem:s20+$0x7430];
	v5 =	vadd.f32 v2, v5  }
0x119: {  	v2 =	vld [tilespmem:s20+$0x7400];
	v6 =	vadd.f32 v3, v6  }
0x11a: {  	v3 =	vld [tilespmem:s20+$0x7410];
	v7 =	vadd.f32 v4, v7  }
0x11b: {  	v4 =	vld [tilespmem:s20+$0x7420]  }
0x11c: {  	_ = 	snop  }
0x11d: {  	v0 =	vadd.f32 v1, v0  }
0x11e: {  	v2 =	vadd.f32 v2, v5  }
0x11f: {  	v3 =	vadd.f32 v3, v6;
	v0 =	vmul.f32 $1.999999960e-02, v0  }
0x120: {  	v4 =	vadd.f32 v4, v7;
	v2 =	vmul.f32 $1.999999960e-02, v2  }
0x121: {  	v1 =	vmul.f32 $1.999999960e-02, v3;
	[tilespmem:$0xCDF0] =	vst v0  }
0x122: {  	[tilespmem:$0xCDC0] =	vst v2;
	v2 =	vmul.f32 $1.999999960e-02, v4  }
0x123: {  	[tilespmem:$0xCDD0] =	vst v1  }
0x124: {  	s20 =	simm.s32 $0x0;
	[tilespmem:$0xCDE0] =	vst v2  }
0x125: {  	v1 =	vld [tilespmem:s20+$0x80B0]  }
0x126: {  	v2 =	vld [tilespmem:s20+$0x8080]  }
0x127: {  	v5 =	vimm.f32 $0.0e+00;
	v3 =	vld [tilespmem:s20+$0x8090]  }
0x128: {  	s19 =	simm.s32 $0x100;
	v6 =	vimm.f32 $0.0e+00;
	v7 =	vimm.f32 $0.0e+00;
	v0 =	vimm.f32 $0.0e+00;
	v4 =	vld [tilespmem:s20+$0x80A0]  }
.LBB2_23:
0x129: {  	p0 =	sne.s32 s19, $0x3100  }
.Ltmp10:
0x12a: {  	s20 =	sshra.s32 s19, $0x2;
	s19 =	sadd.s32 $0x100, s19;
	v0 =	vadd.f32 v1, v0;
	(pc) =	sbr.rel @p0 .LBB2_23-.Ltmp10, $4  }
0x12b: {  	v1 =	vld [tilespmem:s20+$0x80B0];
	v5 =	vadd.f32 v2, v5  }
0x12c: {  	v2 =	vld [tilespmem:s20+$0x8080];
	v6 =	vadd.f32 v3, v6  }
0x12d: {  	v3 =	vld [tilespmem:s20+$0x8090];
	v7 =	vadd.f32 v4, v7  }
0x12e: {  	v4 =	vld [tilespmem:s20+$0x80A0]  }
0x12f: {  	_ = 	snop  }
0x130: {  	v0 =	vadd.f32 v1, v0  }
0x131: {  	v2 =	vadd.f32 v2, v5  }
0x132: {  	v3 =	vadd.f32 v3, v6;
	v0 =	vmul.f32 $1.999999960e-02, v0  }
0x133: {  	v4 =	vadd.f32 v4, v7;
	v2 =	vmul.f32 $1.999999960e-02, v2  }
0x134: {  	v1 =	vmul.f32 $1.999999960e-02, v3;
	[tilespmem:$0xCE30] =	vst v0  }
0x135: {  	[tilespmem:$0xCE00] =	vst v2;
	v2 =	vmul.f32 $1.999999960e-02, v4  }
0x136: {  	[tilespmem:$0xCE10] =	vst v1  }
0x137: {  	s20 =	simm.s32 $0x0;
	[tilespmem:$0xCE20] =	vst v2  }
0x138: {  	v1 =	vld [tilespmem:s20+$0x8D30]  }
0x139: {  	v2 =	vld [tilespmem:s20+$0x8D00]  }
0x13a: {  	v5 =	vimm.f32 $0.0e+00;
	v3 =	vld [tilespmem:s20+$0x8D10]  }
0x13b: {  	s19 =	simm.s32 $0x100;
	v6 =	vimm.f32 $0.0e+00;
	v7 =	vimm.f32 $0.0e+00;
	v0 =	vimm.f32 $0.0e+00;
	v4 =	vld [tilespmem:s20+$0x8D20]  }
.LBB2_25:
0x13c: {  	p0 =	sne.s32 s19, $0x3100  }
.Ltmp11:
0x13d: {  	s20 =	sshra.s32 s19, $0x2;
	s19 =	sadd.s32 $0x100, s19;
	v0 =	vadd.f32 v1, v0;
	(pc) =	sbr.rel @p0 .LBB2_25-.Ltmp11, $4  }
0x13e: {  	v1 =	vld [tilespmem:s20+$0x8D30];
	v5 =	vadd.f32 v2, v5  }
0x13f: {  	v2 =	vld [tilespmem:s20+$0x8D00];
	v6 =	vadd.f32 v3, v6  }
0x140: {  	v3 =	vld [tilespmem:s20+$0x8D10];
	v7 =	vadd.f32 v4, v7  }
0x141: {  	v4 =	vld [tilespmem:s20+$0x8D20]  }
0x142: {  	_ = 	snop  }
0x143: {  	v0 =	vadd.f32 v1, v0  }
0x144: {  	v2 =	vadd.f32 v2, v5  }
0x145: {  	v3 =	vadd.f32 v3, v6;
	v0 =	vmul.f32 $1.999999960e-02, v0  }
0x146: {  	v4 =	vadd.f32 v4, v7;
	v2 =	vmul.f32 $1.999999960e-02, v2  }
0x147: {  	v1 =	vmul.f32 $1.999999960e-02, v3;
	[tilespmem:$0xCE70] =	vst v0  }
0x148: {  	[tilespmem:$0xCE40] =	vst v2;
	v2 =	vmul.f32 $1.999999960e-02, v4  }
0x149: {  	[tilespmem:$0xCE50] =	vst v1  }
0x14a: {  	s20 =	simm.s32 $0x0;
	[tilespmem:$0xCE60] =	vst v2  }
0x14b: {  	v1 =	vld [tilespmem:s20+$0x99B0]  }
0x14c: {  	v2 =	vld [tilespmem:s20+$0x9980]  }
0x14d: {  	v5 =	vimm.f32 $0.0e+00;
	v3 =	vld [tilespmem:s20+$0x9990]  }
0x14e: {  	s19 =	simm.s32 $0x100;
	v6 =	vimm.f32 $0.0e+00;
	v7 =	vimm.f32 $0.0e+00;
	v0 =	vimm.f32 $0.0e+00;
	v4 =	vld [tilespmem:s20+$0x99A0]  }
.LBB2_27:
0x14f: {  	p0 =	sne.s32 s19, $0x3100  }
.Ltmp12:
0x150: {  	s20 =	sshra.s32 s19, $0x2;
	s19 =	sadd.s32 $0x100, s19;
	v0 =	vadd.f32 v1, v0;
	(pc) =	sbr.rel @p0 .LBB2_27-.Ltmp12, $4  }
0x151: {  	v1 =	vld [tilespmem:s20+$0x99B0];
	v5 =	vadd.f32 v2, v5  }
0x152: {  	v2 =	vld [tilespmem:s20+$0x9980];
	v6 =	vadd.f32 v3, v6  }
0x153: {  	v3 =	vld [tilespmem:s20+$0x9990];
	v7 =	vadd.f32 v4, v7  }
0x154: {  	v4 =	vld [tilespmem:s20+$0x99A0]  }
0x155: {  	_ = 	snop  }
0x156: {  	v0 =	vadd.f32 v1, v0  }
0x157: {  	v2 =	vadd.f32 v2, v5  }
0x158: {  	v3 =	vadd.f32 v3, v6;
	v0 =	vmul.f32 $1.999999960e-02, v0  }
0x159: {  	v4 =	vadd.f32 v4, v7;
	v2 =	vmul.f32 $1.999999960e-02, v2  }
0x15a: {  	v1 =	vmul.f32 $1.999999960e-02, v3;
	[tilespmem:$0xCEB0] =	vst v0  }
0x15b: {  	[tilespmem:$0xCE80] =	vst v2;
	v2 =	vmul.f32 $1.999999960e-02, v4  }
0x15c: {  	[tilespmem:$0xCE90] =	vst v1  }
0x15d: {  	s20 =	simm.s32 $0x0;
	[tilespmem:$0xCEA0] =	vst v2  }
0x15e: {  	v1 =	vld [tilespmem:s20+$0xA630]  }
0x15f: {  	v2 =	vld [tilespmem:s20+$0xA600]  }
0x160: {  	v5 =	vimm.f32 $0.0e+00;
	v3 =	vld [tilespmem:s20+$0xA610]  }
0x161: {  	s19 =	simm.s32 $0x100;
	v6 =	vimm.f32 $0.0e+00;
	v7 =	vimm.f32 $0.0e+00;
	v0 =	vimm.f32 $0.0e+00;
	v4 =	vld [tilespmem:s20+$0xA620]  }
.LBB2_29:
0x162: {  	p0 =	sne.s32 s19, $0x3100  }
.Ltmp13:
0x163: {  	s20 =	sshra.s32 s19, $0x2;
	s19 =	sadd.s32 $0x100, s19;
	v0 =	vadd.f32 v1, v0;
	(pc) =	sbr.rel @p0 .LBB2_29-.Ltmp13, $4  }
0x164: {  	v1 =	vld [tilespmem:s20+$0xA630];
	v5 =	vadd.f32 v2, v5  }
0x165: {  	v2 =	vld [tilespmem:s20+$0xA600];
	v6 =	vadd.f32 v3, v6  }
0x166: {  	v3 =	vld [tilespmem:s20+$0xA610];
	v7 =	vadd.f32 v4, v7  }
0x167: {  	v4 =	vld [tilespmem:s20+$0xA620]  }
0x168: {  	_ = 	snop  }
0x169: {  	v0 =	vadd.f32 v1, v0  }
0x16a: {  	v2 =	vadd.f32 v2, v5  }
0x16b: {  	v3 =	vadd.f32 v3, v6;
	v0 =	vmul.f32 $1.999999960e-02, v0  }
0x16c: {  	v4 =	vadd.f32 v4, v7;
	v2 =	vmul.f32 $1.999999960e-02, v2  }
0x16d: {  	v1 =	vmul.f32 $1.999999960e-02, v3;
	[tilespmem:$0xCEF0] =	vst v0  }
0x16e: {  	[tilespmem:$0xCEC0] =	vst v2;
	v2 =	vmul.f32 $1.999999960e-02, v4  }
0x16f: {  	[tilespmem:$0xCED0] =	vst v1  }
0x170: {  	s20 =	simm.s32 $0x0;
	[tilespmem:$0xCEE0] =	vst v2  }
0x171: {  	v1 =	vld [tilespmem:s20+$0xB2B0]  }
0x172: {  	v2 =	vld [tilespmem:s20+$0xB280]  }
0x173: {  	v5 =	vimm.f32 $0.0e+00;
	v3 =	vld [tilespmem:s20+$0xB290]  }
0x174: {  	s19 =	simm.s32 $0x100;
	v6 =	vimm.f32 $0.0e+00;
	v7 =	vimm.f32 $0.0e+00;
	v0 =	vimm.f32 $0.0e+00;
	v4 =	vld [tilespmem:s20+$0xB2A0]  }
.LBB2_31:
0x175: {  	p0 =	sne.s32 s19, $0x3100  }
.Ltmp14:
0x176: {  	s20 =	sshra.s32 s19, $0x2;
	s19 =	sadd.s32 $0x100, s19;
	v0 =	vadd.f32 v1, v0;
	(pc) =	sbr.rel @p0 .LBB2_31-.Ltmp14, $4  }
0x177: {  	v1 =	vld [tilespmem:s20+$0xB2B0];
	v5 =	vadd.f32 v2, v5  }
0x178: {  	v2 =	vld [tilespmem:s20+$0xB280];
	v6 =	vadd.f32 v3, v6  }
0x179: {  	v3 =	vld [tilespmem:s20+$0xB290];
	v7 =	vadd.f32 v4, v7  }
0x17a: {  	v4 =	vld [tilespmem:s20+$0xB2A0]  }
0x17b: {  	_ = 	snop  }
0x17c: {  	v0 =	vadd.f32 v1, v0  }
0x17d: {  	v2 =	vadd.f32 v2, v5  }
0x17e: {  	v3 =	vadd.f32 v3, v6;
	v0 =	vmul.f32 $1.999999960e-02, v0  }
0x17f: {  	v4 =	vadd.f32 v4, v7;
	v2 =	vmul.f32 $1.999999960e-02, v2  }
0x180: {  	v1 =	vmul.f32 $1.999999960e-02, v3;
	[tilespmem:$0xCF30] =	vst v0  }
0x181: {  	[tilespmem:$0xCF00] =	vst v2;
	v2 =	vmul.f32 $1.999999960e-02, v4  }
0x182: {  	[tilespmem:$0xCF10] =	vst v1  }
0x183: {  	s20 =	simm.s32 $0x0;
	[tilespmem:$0xCF20] =	vst v2  }
0x184: {  	v1 =	vld [tilespmem:s20+$0xBF30]  }
0x185: {  	v2 =	vld [tilespmem:s20+$0xBF00]  }
0x186: {  	v5 =	vimm.f32 $0.0e+00;
	v3 =	vld [tilespmem:s20+$0xBF10]  }
0x187: {  	s19 =	simm.s32 $0x100;
	v6 =	vimm.f32 $0.0e+00;
	v7 =	vimm.f32 $0.0e+00;
	v0 =	vimm.f32 $0.0e+00;
	v4 =	vld [tilespmem:s20+$0xBF20]  }
.LBB2_33:
0x188: {  	p0 =	sne.s32 s19, $0x3100  }
.Ltmp15:
0x189: {  	s20 =	sshra.s32 s19, $0x2;
	s19 =	sadd.s32 $0x100, s19;
	v0 =	vadd.f32 v1, v0;
	(pc) =	sbr.rel @p0 .LBB2_33-.Ltmp15, $4  }
0x18a: {  	v1 =	vld [tilespmem:s20+$0xBF30];
	v5 =	vadd.f32 v2, v5  }
0x18b: {  	v2 =	vld [tilespmem:s20+$0xBF00];
	v6 =	vadd.f32 v3, v6  }
0x18c: {  	v3 =	vld [tilespmem:s20+$0xBF10];
	v7 =	vadd.f32 v4, v7  }
0x18d: {  	v4 =	vld [tilespmem:s20+$0xBF20]  }
0x18e: {  	_ = 	snop  }
0x18f: {  	v0 =	vadd.f32 v1, v0  }
0x190: {  	v2 =	vadd.f32 v2, v5  }
0x191: {  	v3 =	vadd.f32 v3, v6;
	v0 =	vmul.f32 $1.999999960e-02, v0  }
0x192: {  	v4 =	vadd.f32 v4, v7;
	v2 =	vmul.f32 $1.999999960e-02, v2  }
0x193: {  	v62 =	vmul.f32 $1.999999960e-02, v3;
	[tilespmem:$0xCF70] =	vst v0  }
0x194: {  	s17 =	sadd.s32 $0x1, s17;
	[tilespmem:$0xCF40] =	vst v2;
	v63 =	vmul.f32 $1.999999960e-02, v4  }
0x195: {  	s18 =	sshll.u32 s18, $0x3;
	s19 =	rddreg [dreg:$0x1];
	p0 =	sne.s32 s17, $0x20;
	[tilespmem:$0xCF50] =	vst v62  }
.Ltmp16:
0x196: {  	s20 =	simm.s32 $0x0;
	s18 =	sadd.s32 s19, s18;
	[tilespmem:$0xCF60] =	vst v63;
	(pc) =	sbr.rel @p0 .LBB2_2-.Ltmp16, $4  }
0x197: {  	[hbm4b:s18+s20] =	stream.linear.scatter [tilespmem:s16], [sflag:$0x2], $0x400, $0x38;
	[tilespmem:$0xCF80] =	vst v63  }
0x198: {  	_ =	swait.ge [sflag:s8], $0x400  }
0x199: {  	[sflag:s8] =	ssyncset.done $0x0  }
0x19a: {  	[sflag:s8] =	ssyncadd.s32 $0xFFFFFC00  }
0x19b: {  	s18 =	rddreg [dreg:$0x4]  }
0x19c: {  	s17 =	rddreg [dreg:$0x3];
	s18 =	sadd.s32 $0x1, s18  }
0x19d: {  	p0 =	sne.s32 s18, s17  }
.Ltmp17:
0x19e: {  	_ = 	snop;
	(pc) =	sbr.rel @p0 .LBB2_1-.Ltmp17, $1  }
0x19f: {  	_ =	sdelay $0x3  }
0x1a0: {  	_ =	sfence.sel $0x180000  }
0x1a1: {  	[bflag:$0x0] =	sbarrier.arrive $0xFFFF  }
0x1a2: {  	_ =	strace $0x90000047  }
0x1a3: {  	s0 =	stileid.u32;
	[bflag:$0x2] =	sbarrier.arrive $0xFFFF  }
0x1a4: {  	p0 =	sne.s32 s0, $0x0;
	s0 =	rddreg [dreg:$0x2]  }
0x1a5: {  	s0 =	sadd.s32 @!p0 $0x100000, s0  }
0x1a6: {  	[sflag:s0] =	ssyncadd.tile.s32 @!p0 $0x1;
	_ =	shalt  }
.Lfunc_end2:
_tile_overlayer_lowered:
.L_overlay_start_2:
0x1a7: {  	(tag) =	ssettag $0x2  }
0x1a8: {  	s0 =	rddreg [dreg:$0x0];
	s2 =	stileid.u32  }
0x1a9: {  	s1 =	rddreg [dreg:$0x1];
	p0 =	sne.s32 s2, $0x0  }
0x1aa: {  	s3 =	rddreg [dreg:$0x2];
	[bflag:$0x3] =	sbarrier.arrive $0xFFFF;
	s2 =	simm.s32 @!p0 $0x1C02  }
0x1ab: {  	[timem:s3], [sflag:s2] =	dma.local @!p0 [hbm:s0], s1  }
0x1ac: {  	s0 =	simm.s32 @!p0 $0x2  }
0x1ad: {  	_ =	swait.ge @!p0 [sflag:s0], s1  }
0x1ae: {  	s1 =	ssub.s32 @!p0 $0x0, s1;
	[sflag:s0] =	ssyncset.done @!p0 $0x0  }
0x1af: {  	[sflag:s0] =	ssyncadd.s32 @!p0 s1  }
0x1b0: {  	[bflag:$0x3] =	sbarrier.arrive $0xFFFF  }
0x1b1: {  	_ =	shalt  }

</sc_bundles>
